<compile_context>
chip_gen: v7x
topology: tpu7x:2x2x1
jax: 0.10.2.dev20260603
libtpu: 0.0.44.dev20260713+nightly
codegen_flags: <defaults>
</compile_context>

<pallas_src>
import functools

import jax
import jax.numpy as jnp
from jax import lax
from jax.experimental import pallas as pl
from jax.experimental.pallas import tpu as pltpu
from jax.experimental.pallas import tpu_sc as plsc

NW = 32
CHUNK = 128


def _fuse_tc(a0_ref, a1_ref, x_ref, d0_ref, d1_ref, w_ref, b_ref, o_ref):
    h = a0_ref[0] + a1_ref[0] + x_ref[...]
    deg = d0_ref[...] + d1_ref[...] + 1.0
    p = jnp.dot(h, w_ref[...], preferred_element_type=jnp.float32)
    o_ref[...] = p / deg + b_ref[...]


def _make_sc_scatter(n_pad, chunks_per_w, f):
    rows_per_tile = n_pad // 16
    zero_blks = rows_per_tile // CHUNK
    cpp = -(-chunks_per_w // 2)
    mesh = plsc.VectorSubcoreMesh(core_axis_name="c", subcore_axis_name="s")

    @functools.partial(
        pl.kernel,
        mesh=mesh,
        out_type=[
            jax.ShapeDtypeStruct((2, n_pad, f), jnp.float32),
            jax.ShapeDtypeStruct((2 * n_pad,), jnp.float32),
        ],
        scratch_types=[
            pltpu.VMEM((cpp, CHUNK), jnp.int32),
            pltpu.VMEM((cpp, CHUNK), jnp.int32),
            pltpu.VMEM((CHUNK, f), jnp.float32),
            pltpu.VMEM((CHUNK, f), jnp.float32),
            pltpu.VMEM((CHUNK,), jnp.float32),
            pltpu.VMEM((rows_per_tile,), jnp.float32),
            pltpu.VMEM_SHARED((n_pad, f), jnp.float32),
            pltpu.VMEM_SHARED((n_pad,), jnp.float32),
            pltpu.SemaphoreType.DMA,
            pltpu.SemaphoreType.DMA,
        ],
    )
    def sc_scatter(src_hbm, dst_hbm, x_hbm,
                   acc_out, deg_out,
                   src_v, dst_v, buf_a, buf_b, ones_v, zdeg_v,
                   acc_sh, deg_sh, sem_a, sem_b):
        c = lax.axis_index("c")
        s = lax.axis_index("s")
        wid = c * 16 + s
        row0 = s * rows_per_tile
        sl = pl.ds(row0, rows_per_tile)

        def zrow(i, carry):
            for k in range(f // 16):
                buf_a[i, pl.ds(k * 16, 16)] = jnp.zeros((16,), jnp.float32)
            return carry
        lax.fori_loop(0, CHUNK, zrow, 0)
        for i in range(rows_per_tile // 16):
            zdeg_v[pl.ds(i * 16, 16)] = jnp.zeros((16,), jnp.float32)
        for i in range(CHUNK // 16):
            ones_v[pl.ds(i * 16, 16)] = jnp.ones((16,), jnp.float32)
        for t in range(zero_blks):
            pltpu.sync_copy(buf_a, acc_sh.at[pl.ds(row0 + t * CHUNK, CHUNK)])
        pltpu.sync_copy(zdeg_v, deg_sh.at[sl])

        plsc.subcore_barrier()

        for p in range(2):
            lo = p * cpp
            cnt = min(cpp, chunks_per_w - lo)
            psl = pl.ds(0, cnt)
            pltpu.sync_copy(src_hbm.at[wid, pl.ds(lo, cnt)], src_v.at[psl])
            pltpu.sync_copy(dst_hbm.at[wid, pl.ds(lo, cnt)], dst_v.at[psl])

            pltpu.async_copy(x_hbm.at[src_v.at[0]], buf_a, sem_a)

            def body(j, carry):
                def step(buf_p, sem_p, buf_q, sem_q):
                    @pl.when(j + 1 < cnt)
                    def _():
                        pltpu.async_copy(
                            x_hbm.at[src_v.at[j + 1]], buf_q, sem_q)
                    pltpu.make_async_copy(
                        x_hbm.at[src_v.at[j]], buf_p, sem_p).wait()
                    pltpu.sync_copy(buf_p, acc_sh.at[dst_v.at[j]], add=True)
                    pltpu.sync_copy(ones_v, deg_sh.at[dst_v.at[j]], add=True)

                @pl.when(j % 2 == 0)
                def _():
                    step(buf_a, sem_a, buf_b, sem_b)

                @pl.when(j % 2 == 1)
                def _():
                    step(buf_b, sem_b, buf_a, sem_a)
                return carry

            lax.fori_loop(0, cnt, body, 0)

        plsc.subcore_barrier()

        pltpu.sync_copy(acc_sh.at[sl], acc_out.at[c, sl])
        pltpu.sync_copy(deg_sh.at[sl],
                        deg_out.at[pl.ds(c * n_pad + row0, rows_per_tile)])

    return sc_scatter


def kernel(features, edge_index, W_neigh, b):
    n, f = features.shape
    d = W_neigh.shape[1]
    e = edge_index.shape[1]

    n_pad = (n // 2048 + 1) * 2048
    chunks_per_w = -(-e // (NW * CHUNK))
    e_pad = NW * chunks_per_w * CHUNK

    src = edge_index[0].astype(jnp.int32)
    dst = edge_index[1].astype(jnp.int32)
    pad = e_pad - e
    spread = jnp.arange(pad, dtype=jnp.int32)
    src_p = jnp.concatenate([src, spread % n])
    dst_p = jnp.concatenate([dst, n + spread % (n_pad - n)])
    src_r = src_p.reshape(NW, chunks_per_w, CHUNK)
    dst_r = dst_p.reshape(NW, chunks_per_w, CHUNK)

    acc_part, deg_part = _make_sc_scatter(n_pad, chunks_per_w, f)(
        src_r, dst_r, features)

    blk = 1024
    grid = -(-n // blk)
    deg2 = deg_part.reshape(2 * n_pad, 1)
    b2 = b.reshape(1, d)
    out = pl.pallas_call(
        _fuse_tc,
        grid=(grid,),
        in_specs=[
            pl.BlockSpec((1, blk, f), lambda i: (0, i, 0)),
            pl.BlockSpec((1, blk, f), lambda i: (1, i, 0)),
            pl.BlockSpec((blk, f), lambda i: (i, 0)),
            pl.BlockSpec((blk, 1), lambda i: (i, 0)),
            pl.BlockSpec((blk, 1), lambda i: (n_pad // blk + i, 0)),
            pl.BlockSpec((f, d), lambda i: (0, 0)),
            pl.BlockSpec((1, d), lambda i: (0, 0)),
        ],
        out_specs=pl.BlockSpec((blk, d), lambda i: (i, 0)),
        out_shape=jax.ShapeDtypeStruct((n, d), jnp.float32),
    )(acc_part, acc_part, features, deg2, deg2, W_neigh, b2)
    return out

# --- scband reference (transcript-rebuilt; emitter-appended) ---
"""Pipeline reference for scband-graph-sagemodel-91018946937618 (READ-ONLY COPY).

The authoritative reference and input builder live on the scoring server;
editing this copy changes nothing except your own understanding.
"""

import jax, jax.numpy as jnp
import numpy as np

N_NODES = 10000
N_EDGES = 320000
IN_FEATS = 128
OUT_DIM = 16

def setup_inputs(seed: int = 0) -> dict:
    key = jax.random.key(seed)
    k1, k2, k3, k4 = jax.random.split(key, 4)
    features = jax.random.normal(k1, (N_NODES, IN_FEATS), dtype=jnp.float32)
    edge_index = jax.random.randint(k2, (2, N_EDGES), 0, N_NODES, dtype=jnp.int64)
    # SAGEConv 'gcn' aggregator parameters: single fc_neigh (no fc_self for gcn) + bias
    W_neigh = jax.random.normal(k3, (IN_FEATS, OUT_DIM), dtype=jnp.float32) * (1.0 / np.sqrt(IN_FEATS))
    b = jnp.zeros((OUT_DIM,), dtype=jnp.float32)
    return {"features": features, "edge_index": edge_index, "W_neigh": W_neigh, "b": b}

def reference(features, edge_index, W_neigh, b):
    # GraphSAGEModel with n_layers=1: one SAGEConv(in_feats, n_hidden, 'gcn', activation=None)
    src = edge_index[0]
    dst = edge_index[1]
    # message passing: gather src features, scatter-add to dst (copy_src + sum)
    msgs = jnp.take(features, src, axis=0)
    agg = jax.ops.segment_sum(msgs, dst, num_segments=N_NODES)
    # gcn aggregator in DGL SAGEConv: (sum_neigh + h_self) / (in_degree + 1)
    deg = jax.ops.segment_sum(jnp.ones((N_EDGES,), dtype=jnp.float32), dst, num_segments=N_NODES)
    h = (agg + features) / (deg + 1.0)[:, None]
    # rst = fc_neigh(h) + bias; activation=None, dropout=0
    out = h @ W_neigh + b
    return out

if __name__ == "__main__":
    import jax
    _d = setup_inputs()
    print(jax.jit(kernel)(*tuple(_d.values())))

</pallas_src>

<mosaic_0001>
#map = affine_map<(d0, d1) -> (0, 0, 0)>
#map1 = affine_map<(d0, d1) -> (0, 0)>
#map2 = affine_map<(d0, d1) -> (0)>
module attributes {stable_mosaic.version = 14 : i64} {
  func.func @sc_scatter(%arg0: i32, %arg1: i32, %arg2: memref<32x79x128xi32, #tpu.memory_space<hbm>>, %arg3: memref<32x79x128xi32, #tpu.memory_space<hbm>>, %arg4: memref<10000x128xf32, #tpu.memory_space<hbm>>, %arg5: memref<2x10240x128xf32, #tpu.memory_space<hbm>>, %arg6: memref<20480xf32, #tpu.memory_space<hbm>>, %arg7: memref<40x128xi32, #tpu.memory_space<vmem>>, %arg8: memref<40x128xi32, #tpu.memory_space<vmem>>, %arg9: memref<128x128xf32, #tpu.memory_space<vmem>>, %arg10: memref<128x128xf32, #tpu.memory_space<vmem>>, %arg11: memref<128xf32, #tpu.memory_space<vmem>>, %arg12: memref<640xf32, #tpu.memory_space<vmem>>, %arg13: memref<10240x128xf32, #tpu.memory_space<vmem_shared>>, %arg14: memref<10240xf32, #tpu.memory_space<vmem_shared>>, %arg15: memref<!tpu.dma_semaphore, #tpu.memory_space<semaphore_mem>>, %arg16: memref<!tpu.dma_semaphore, #tpu.memory_space<semaphore_mem>>) attributes {dimension_semantics = [#tpu.dimension_semantics<core_parallel>, #tpu.dimension_semantics<subcore_parallel>], iteration_bounds = array<i64: 2, 16>, scalar_prefetch = 0 : i64, scratch_operands = 10 : i64, tpu.core_type = #tpu.core_type<sc_vector_subcore>, window_params = [{transform_indices = #map}, {transform_indices = #map}, {transform_indices = #map1}, {transform_indices = #map}, {transform_indices = #map2}]} {
    %mul3A = arith.constant 16 : i32
    %mul3A_0 = arith.muli %arg0, %mul3A : i32
    %add3A = arith.addi %mul3A_0, %arg1 : i32
    %mul3A_1 = arith.constant 640 : i32
    %mul3A_2 = arith.muli %arg1, %mul3A_1 : i32
    %scan3A = arith.constant 0 : i32
    %scan3A_3 = arith.constant 0 : i32
    %scan3A_4 = arith.constant 128 : i32
    %scan3A_5 = arith.addi %scan3A_3, %scan3A_4 : i32
    %scan3A_6 = arith.constant 1 : i32
    scf.for %scan3A_333 = %scan3A_3 to %scan3A_5 step %scan3A_6  : i32 {
      %broadcast_in_dim3A_334 = arith.constant 0.000000e+00 : f32
      %broadcast_in_dim3A_335 = vector.broadcast %broadcast_in_dim3A_334 : f32 to vector<16xf32>
      %swap3A_336 = arith.index_cast %scan3A_333 : i32 to index
      %swap3A_337 = arith.constant 0 : index
      %swap3A_338 = tpu.vector_load %arg9[%swap3A_336, %swap3A_337] {strides = array<i32>} : memref<128x128xf32, #tpu.memory_space<vmem>>, vector<1x16xf32>,
      %swap3A_339 = vector.shape_cast %swap3A_338 : vector<1x16xf32> to vector<16xf32>
      %swap3A_340 = vector.shape_cast %broadcast_in_dim3A_335 : vector<16xf32> to vector<1x16xf32>
      tpu.vector_store %arg9[%swap3A_336, %swap3A_337], %swap3A_340 {strides = array<i32>} : memref<128x128xf32, #tpu.memory_space<vmem>>, vector<1x16xf32>,
      %broadcast_in_dim3A_341 = arith.constant 0.000000e+00 : f32
      %broadcast_in_dim3A_342 = vector.broadcast %broadcast_in_dim3A_341 : f32 to vector<16xf32>
      %swap3A_343 = arith.index_cast %scan3A_333 : i32 to index
      %swap3A_344 = arith.constant 16 : index
      %swap3A_345 = tpu.vector_load %arg9[%swap3A_343, %swap3A_344] {strides = array<i32>} : memref<128x128xf32, #tpu.memory_space<vmem>>, vector<1x16xf32>,
      %swap3A_346 = vector.shape_cast %swap3A_345 : vector<1x16xf32> to vector<16xf32>
      %swap3A_347 = vector.shape_cast %broadcast_in_dim3A_342 : vector<16xf32> to vector<1x16xf32>
      tpu.vector_store %arg9[%swap3A_343, %swap3A_344], %swap3A_347 {strides = array<i32>} : memref<128x128xf32, #tpu.memory_space<vmem>>, vector<1x16xf32>,
      %broadcast_in_dim3A_348 = arith.constant 0.000000e+00 : f32
      %broadcast_in_dim3A_349 = vector.broadcast %broadcast_in_dim3A_348 : f32 to vector<16xf32>
      %swap3A_350 = arith.index_cast %scan3A_333 : i32 to index
      %swap3A_351 = arith.constant 32 : index
      %swap3A_352 = tpu.vector_load %arg9[%swap3A_350, %swap3A_351] {strides = array<i32>} : memref<128x128xf32, #tpu.memory_space<vmem>>, vector<1x16xf32>,
      %swap3A_353 = vector.shape_cast %swap3A_352 : vector<1x16xf32> to vector<16xf32>
      %swap3A_354 = vector.shape_cast %broadcast_in_dim3A_349 : vector<16xf32> to vector<1x16xf32>
      tpu.vector_store %arg9[%swap3A_350, %swap3A_351], %swap3A_354 {strides = array<i32>} : memref<128x128xf32, #tpu.memory_space<vmem>>, vector<1x16xf32>,
      %broadcast_in_dim3A_355 = arith.constant 0.000000e+00 : f32
      %broadcast_in_dim3A_356 = vector.broadcast %broadcast_in_dim3A_355 : f32 to vector<16xf32>
      %swap3A_357 = arith.index_cast %scan3A_333 : i32 to index
      %swap3A_358 = arith.constant 48 : index
      %swap3A_359 = tpu.vector_load %arg9[%swap3A_357, %swap3A_358] {strides = array<i32>} : memref<128x128xf32, #tpu.memory_space<vmem>>, vector<1x16xf32>,
      %swap3A_360 = vector.shape_cast %swap3A_359 : vector<1x16xf32> to vector<16xf32>
      %swap3A_361 = vector.shape_cast %broadcast_in_dim3A_356 : vector<16xf32> to vector<1x16xf32>
      tpu.vector_store %arg9[%swap3A_357, %swap3A_358], %swap3A_361 {strides = array<i32>} : memref<128x128xf32, #tpu.memory_space<vmem>>, vector<1x16xf32>,
      %broadcast_in_dim3A_362 = arith.constant 0.000000e+00 : f32
      %broadcast_in_dim3A_363 = vector.broadcast %broadcast_in_dim3A_362 : f32 to vector<16xf32>
      %swap3A_364 = arith.index_cast %scan3A_333 : i32 to index
      %swap3A_365 = arith.constant 64 : index
      %swap3A_366 = tpu.vector_load %arg9[%swap3A_364, %swap3A_365] {strides = array<i32>} : memref<128x128xf32, #tpu.memory_space<vmem>>, vector<1x16xf32>,
      %swap3A_367 = vector.shape_cast %swap3A_366 : vector<1x16xf32> to vector<16xf32>
      %swap3A_368 = vector.shape_cast %broadcast_in_dim3A_363 : vector<16xf32> to vector<1x16xf32>
      tpu.vector_store %arg9[%swap3A_364, %swap3A_365], %swap3A_368 {strides = array<i32>} : memref<128x128xf32, #tpu.memory_space<vmem>>, vector<1x16xf32>,
      %broadcast_in_dim3A_369 = arith.constant 0.000000e+00 : f32
      %broadcast_in_dim3A_370 = vector.broadcast %broadcast_in_dim3A_369 : f32 to vector<16xf32>
      %swap3A_371 = arith.index_cast %scan3A_333 : i32 to index
      %swap3A_372 = arith.constant 80 : index
      %swap3A_373 = tpu.vector_load %arg9[%swap3A_371, %swap3A_372] {strides = array<i32>} : memref<128x128xf32, #tpu.memory_space<vmem>>, vector<1x16xf32>,
      %swap3A_374 = vector.shape_cast %swap3A_373 : vector<1x16xf32> to vector<16xf32>
      %swap3A_375 = vector.shape_cast %broadcast_in_dim3A_370 : vector<16xf32> to vector<1x16xf32>
      tpu.vector_store %arg9[%swap3A_371, %swap3A_372], %swap3A_375 {strides = array<i32>} : memref<128x128xf32, #tpu.memory_space<vmem>>, vector<1x16xf32>,
      %broadcast_in_dim3A_376 = arith.constant 0.000000e+00 : f32
      %broadcast_in_dim3A_377 = vector.broadcast %broadcast_in_dim3A_376 : f32 to vector<16xf32>
      %swap3A_378 = arith.index_cast %scan3A_333 : i32 to index
      %swap3A_379 = arith.constant 96 : index
      %swap3A_380 = tpu.vector_load %arg9[%swap3A_378, %swap3A_379] {strides = array<i32>} : memref<128x128xf32, #tpu.memory_space<vmem>>, vector<1x16xf32>,
      %swap3A_381 = vector.shape_cast %swap3A_380 : vector<1x16xf32> to vector<16xf32>
      %swap3A_382 = vector.shape_cast %broadcast_in_dim3A_377 : vector<16xf32> to vector<1x16xf32>
      tpu.vector_store %arg9[%swap3A_378, %swap3A_379], %swap3A_382 {strides = array<i32>} : memref<128x128xf32, #tpu.memory_space<vmem>>, vector<1x16xf32>,
      %broadcast_in_dim3A_383 = arith.constant 0.000000e+00 : f32
      %broadcast_in_dim3A_384 = vector.broadcast %broadcast_in_dim3A_383 : f32 to vector<16xf32>
      %swap3A_385 = arith.index_cast %scan3A_333 : i32 to index
      %swap3A_386 = arith.constant 112 : index
      %swap3A_387 = tpu.vector_load %arg9[%swap3A_385, %swap3A_386] {strides = array<i32>} : memref<128x128xf32, #tpu.memory_space<vmem>>, vector<1x16xf32>,
      %swap3A_388 = vector.shape_cast %swap3A_387 : vector<1x16xf32> to vector<16xf32>
      %swap3A_389 = vector.shape_cast %broadcast_in_dim3A_384 : vector<16xf32> to vector<1x16xf32>
      tpu.vector_store %arg9[%swap3A_385, %swap3A_386], %swap3A_389 {strides = array<i32>} : memref<128x128xf32, #tpu.memory_space<vmem>>, vector<1x16xf32>,
    }
    %scan3A_7 = arith.constant 128 : i32
    %broadcast_in_dim3A = arith.constant 0.000000e+00 : f32
    %broadcast_in_dim3A_8 = vector.broadcast %broadcast_in_dim3A : f32 to vector<16xf32>
    %swap3A = arith.constant 0 : index
    %swap3A_9 = tpu.vector_load %arg12[%swap3A] {strides = array<i32>} : memref<640xf32, #tpu.memory_space<vmem>>, vector<16xf32>,
    %swap3A_10 = vector.shape_cast %swap3A_9 : vector<16xf32> to vector<16xf32>
    %swap3A_11 = vector.shape_cast %broadcast_in_dim3A_8 : vector<16xf32> to vector<16xf32>
    tpu.vector_store %arg12[%swap3A], %swap3A_11 {strides = array<i32>} : memref<640xf32, #tpu.memory_space<vmem>>, vector<16xf32>,
    %broadcast_in_dim3A_12 = arith.constant 0.000000e+00 : f32
    %broadcast_in_dim3A_13 = vector.broadcast %broadcast_in_dim3A_12 : f32 to vector<16xf32>
    %swap3A_14 = arith.constant 16 : index
    %swap3A_15 = tpu.vector_load %arg12[%swap3A_14] {strides = array<i32>} : memref<640xf32, #tpu.memory_space<vmem>>, vector<16xf32>,
    %swap3A_16 = vector.shape_cast %swap3A_15 : vector<16xf32> to vector<16xf32>
    %swap3A_17 = vector.shape_cast %broadcast_in_dim3A_13 : vector<16xf32> to vector<16xf32>
    tpu.vector_store %arg12[%swap3A_14], %swap3A_17 {strides = array<i32>} : memref<640xf32, #tpu.memory_space<vmem>>, vector<16xf32>,
    %broadcast_in_dim3A_18 = arith.constant 0.000000e+00 : f32
    %broadcast_in_dim3A_19 = vector.broadcast %broadcast_in_dim3A_18 : f32 to vector<16xf32>
    %swap3A_20 = arith.constant 32 : index
    %swap3A_21 = tpu.vector_load %arg12[%swap3A_20] {strides = array<i32>} : memref<640xf32, #tpu.memory_space<vmem>>, vector<16xf32>,
    %swap3A_22 = vector.shape_cast %swap3A_21 : vector<16xf32> to vector<16xf32>
    %swap3A_23 = vector.shape_cast %broadcast_in_dim3A_19 : vector<16xf32> to vector<16xf32>
    tpu.vector_store %arg12[%swap3A_20], %swap3A_23 {strides = array<i32>} : memref<640xf32, #tpu.memory_space<vmem>>, vector<16xf32>,
    %broadcast_in_dim3A_24 = arith.constant 0.000000e+00 : f32
    %broadcast_in_dim3A_25 = vector.broadcast %broadcast_in_dim3A_24 : f32 to vector<16xf32>
    %swap3A_26 = arith.constant 48 : index
    %swap3A_27 = tpu.vector_load %arg12[%swap3A_26] {strides = array<i32>} : memref<640xf32, #tpu.memory_space<vmem>>, vector<16xf32>,
    %swap3A_28 = vector.shape_cast %swap3A_27 : vector<16xf32> to vector<16xf32>
    %swap3A_29 = vector.shape_cast %broadcast_in_dim3A_25 : vector<16xf32> to vector<16xf32>
    tpu.vector_store %arg12[%swap3A_26], %swap3A_29 {strides = array<i32>} : memref<640xf32, #tpu.memory_space<vmem>>, vector<16xf32>,
    %broadcast_in_dim3A_30 = arith.constant 0.000000e+00 : f32
    %broadcast_in_dim3A_31 = vector.broadcast %broadcast_in_dim3A_30 : f32 to vector<16xf32>
    %swap3A_32 = arith.constant 64 : index
    %swap3A_33 = tpu.vector_load %arg12[%swap3A_32] {strides = array<i32>} : memref<640xf32, #tpu.memory_space<vmem>>, vector<16xf32>,
    %swap3A_34 = vector.shape_cast %swap3A_33 : vector<16xf32> to vector<16xf32>
    %swap3A_35 = vector.shape_cast %broadcast_in_dim3A_31 : vector<16xf32> to vector<16xf32>
    tpu.vector_store %arg12[%swap3A_32], %swap3A_35 {strides = array<i32>} : memref<640xf32, #tpu.memory_space<vmem>>, vector<16xf32>,
    %broadcast_in_dim3A_36 = arith.constant 0.000000e+00 : f32
    %broadcast_in_dim3A_37 = vector.broadcast %broadcast_in_dim3A_36 : f32 to vector<16xf32>
    %swap3A_38 = arith.constant 80 : index
    %swap3A_39 = tpu.vector_load %arg12[%swap3A_38] {strides = array<i32>} : memref<640xf32, #tpu.memory_space<vmem>>, vector<16xf32>,
    %swap3A_40 = vector.shape_cast %swap3A_39 : vector<16xf32> to vector<16xf32>
    %swap3A_41 = vector.shape_cast %broadcast_in_dim3A_37 : vector<16xf32> to vector<16xf32>
    tpu.vector_store %arg12[%swap3A_38], %swap3A_41 {strides = array<i32>} : memref<640xf32, #tpu.memory_space<vmem>>, vector<16xf32>,
    %broadcast_in_dim3A_42 = arith.constant 0.000000e+00 : f32
    %broadcast_in_dim3A_43 = vector.broadcast %broadcast_in_dim3A_42 : f32 to vector<16xf32>
    %swap3A_44 = arith.constant 96 : index
    %swap3A_45 = tpu.vector_load %arg12[%swap3A_44] {strides = array<i32>} : memref<640xf32, #tpu.memory_space<vmem>>, vector<16xf32>,
    %swap3A_46 = vector.shape_cast %swap3A_45 : vector<16xf32> to vector<16xf32>
    %swap3A_47 = vector.shape_cast %broadcast_in_dim3A_43 : vector<16xf32> to vector<16xf32>
    tpu.vector_store %arg12[%swap3A_44], %swap3A_47 {strides = array<i32>} : memref<640xf32, #tpu.memory_space<vmem>>, vector<16xf32>,
    %broadcast_in_dim3A_48 = arith.constant 0.000000e+00 : f32
    %broadcast_in_dim3A_49 = vector.broadcast %broadcast_in_dim3A_48 : f32 to vector<16xf32>
    %swap3A_50 = arith.constant 112 : index
    %swap3A_51 = tpu.vector_load %arg12[%swap3A_50] {strides = array<i32>} : memref<640xf32, #tpu.memory_space<vmem>>, vector<16xf32>,
    %swap3A_52 = vector.shape_cast %swap3A_51 : vector<16xf32> to vector<16xf32>
    %swap3A_53 = vector.shape_cast %broadcast_in_dim3A_49 : vector<16xf32> to vector<16xf32>
    tpu.vector_store %arg12[%swap3A_50], %swap3A_53 {strides = array<i32>} : memref<640xf32, #tpu.memory_space<vmem>>, vector<16xf32>,
    %broadcast_in_dim3A_54 = arith.constant 0.000000e+00 : f32
    %broadcast_in_dim3A_55 = vector.broadcast %broadcast_in_dim3A_54 : f32 to vector<16xf32>
    %swap3A_56 = arith.constant 128 : index
    %swap3A_57 = tpu.vector_load %arg12[%swap3A_56] {strides = array<i32>} : memref<640xf32, #tpu.memory_space<vmem>>, vector<16xf32>,
    %swap3A_58 = vector.shape_cast %swap3A_57 : vector<16xf32> to vector<16xf32>
    %swap3A_59 = vector.shape_cast %broadcast_in_dim3A_55 : vector<16xf32> to vector<16xf32>
    tpu.vector_store %arg12[%swap3A_56], %swap3A_59 {strides = array<i32>} : memref<640xf32, #tpu.memory_space<vmem>>, vector<16xf32>,
    %broadcast_in_dim3A_60 = arith.constant 0.000000e+00 : f32
    %broadcast_in_dim3A_61 = vector.broadcast %broadcast_in_dim3A_60 : f32 to vector<16xf32>
    %swap3A_62 = arith.constant 144 : index
    %swap3A_63 = tpu.vector_load %arg12[%swap3A_62] {strides = array<i32>} : memref<640xf32, #tpu.memory_space<vmem>>, vector<16xf32>,
    %swap3A_64 = vector.shape_cast %swap3A_63 : vector<16xf32> to vector<16xf32>
    %swap3A_65 = vector.shape_cast %broadcast_in_dim3A_61 : vector<16xf32> to vector<16xf32>
    tpu.vector_store %arg12[%swap3A_62], %swap3A_65 {strides = array<i32>} : memref<640xf32, #tpu.memory_space<vmem>>, vector<16xf32>,
    %broadcast_in_dim3A_66 = arith.constant 0.000000e+00 : f32
    %broadcast_in_dim3A_67 = vector.broadcast %broadcast_in_dim3A_66 : f32 to vector<16xf32>
    %swap3A_68 = arith.constant 160 : index
    %swap3A_69 = tpu.vector_load %arg12[%swap3A_68] {strides = array<i32>} : memref<640xf32, #tpu.memory_space<vmem>>, vector<16xf32>,
    %swap3A_70 = vector.shape_cast %swap3A_69 : vector<16xf32> to vector<16xf32>
    %swap3A_71 = vector.shape_cast %broadcast_in_dim3A_67 : vector<16xf32> to vector<16xf32>
    tpu.vector_store %arg12[%swap3A_68], %swap3A_71 {strides = array<i32>} : memref<640xf32, #tpu.memory_space<vmem>>, vector<16xf32>,
    %broadcast_in_dim3A_72 = arith.constant 0.000000e+00 : f32
    %broadcast_in_dim3A_73 = vector.broadcast %broadcast_in_dim3A_72 : f32 to vector<16xf32>
    %swap3A_74 = arith.constant 176 : index
    %swap3A_75 = tpu.vector_load %arg12[%swap3A_74] {strides = array<i32>} : memref<640xf32, #tpu.memory_space<vmem>>, vector<16xf32>,
    %swap3A_76 = vector.shape_cast %swap3A_75 : vector<16xf32> to vector<16xf32>
    %swap3A_77 = vector.shape_cast %broadcast_in_dim3A_73 : vector<16xf32> to vector<16xf32>
    tpu.vector_store %arg12[%swap3A_74], %swap3A_77 {strides = array<i32>} : memref<640xf32, #tpu.memory_space<vmem>>, vector<16xf32>,
    %broadcast_in_dim3A_78 = arith.constant 0.000000e+00 : f32
    %broadcast_in_dim3A_79 = vector.broadcast %broadcast_in_dim3A_78 : f32 to vector<16xf32>
    %swap3A_80 = arith.constant 192 : index
    %swap3A_81 = tpu.vector_load %arg12[%swap3A_80] {strides = array<i32>} : memref<640xf32, #tpu.memory_space<vmem>>, vector<16xf32>,
    %swap3A_82 = vector.shape_cast %swap3A_81 : vector<16xf32> to vector<16xf32>
    %swap3A_83 = vector.shape_cast %broadcast_in_dim3A_79 : vector<16xf32> to vector<16xf32>
    tpu.vector_store %arg12[%swap3A_80], %swap3A_83 {strides = array<i32>} : memref<640xf32, #tpu.memory_space<vmem>>, vector<16xf32>,
    %broadcast_in_dim3A_84 = arith.constant 0.000000e+00 : f32
    %broadcast_in_dim3A_85 = vector.broadcast %broadcast_in_dim3A_84 : f32 to vector<16xf32>
    %swap3A_86 = arith.constant 208 : index
    %swap3A_87 = tpu.vector_load %arg12[%swap3A_86] {strides = array<i32>} : memref<640xf32, #tpu.memory_space<vmem>>, vector<16xf32>,
    %swap3A_88 = vector.shape_cast %swap3A_87 : vector<16xf32> to vector<16xf32>
    %swap3A_89 = vector.shape_cast %broadcast_in_dim3A_85 : vector<16xf32> to vector<16xf32>
    tpu.vector_store %arg12[%swap3A_86], %swap3A_89 {strides = array<i32>} : memref<640xf32, #tpu.memory_space<vmem>>, vector<16xf32>,
    %broadcast_in_dim3A_90 = arith.constant 0.000000e+00 : f32
    %broadcast_in_dim3A_91 = vector.broadcast %broadcast_in_dim3A_90 : f32 to vector<16xf32>
    %swap3A_92 = arith.constant 224 : index
    %swap3A_93 = tpu.vector_load %arg12[%swap3A_92] {strides = array<i32>} : memref<640xf32, #tpu.memory_space<vmem>>, vector<16xf32>,
    %swap3A_94 = vector.shape_cast %swap3A_93 : vector<16xf32> to vector<16xf32>
    %swap3A_95 = vector.shape_cast %broadcast_in_dim3A_91 : vector<16xf32> to vector<16xf32>
    tpu.vector_store %arg12[%swap3A_92], %swap3A_95 {strides = array<i32>} : memref<640xf32, #tpu.memory_space<vmem>>, vector<16xf32>,
    %broadcast_in_dim3A_96 = arith.constant 0.000000e+00 : f32
    %broadcast_in_dim3A_97 = vector.broadcast %broadcast_in_dim3A_96 : f32 to vector<16xf32>
    %swap3A_98 = arith.constant 240 : index
    %swap3A_99 = tpu.vector_load %arg12[%swap3A_98] {strides = array<i32>} : memref<640xf32, #tpu.memory_space<vmem>>, vector<16xf32>,
    %swap3A_100 = vector.shape_cast %swap3A_99 : vector<16xf32> to vector<16xf32>
    %swap3A_101 = vector.shape_cast %broadcast_in_dim3A_97 : vector<16xf32> to vector<16xf32>
    tpu.vector_store %arg12[%swap3A_98], %swap3A_101 {strides = array<i32>} : memref<640xf32, #tpu.memory_space<vmem>>, vector<16xf32>,
    %broadcast_in_dim3A_102 = arith.constant 0.000000e+00 : f32
    %broadcast_in_dim3A_103 = vector.broadcast %broadcast_in_dim3A_102 : f32 to vector<16xf32>
    %swap3A_104 = arith.constant 256 : index
    %swap3A_105 = tpu.vector_load %arg12[%swap3A_104] {strides = array<i32>} : memref<640xf32, #tpu.memory_space<vmem>>, vector<16xf32>,
    %swap3A_106 = vector.shape_cast %swap3A_105 : vector<16xf32> to vector<16xf32>
    %swap3A_107 = vector.shape_cast %broadcast_in_dim3A_103 : vector<16xf32> to vector<16xf32>
    tpu.vector_store %arg12[%swap3A_104], %swap3A_107 {strides = array<i32>} : memref<640xf32, #tpu.memory_space<vmem>>, vector<16xf32>,
    %broadcast_in_dim3A_108 = arith.constant 0.000000e+00 : f32
    %broadcast_in_dim3A_109 = vector.broadcast %broadcast_in_dim3A_108 : f32 to vector<16xf32>
    %swap3A_110 = arith.constant 272 : index
    %swap3A_111 = tpu.vector_load %arg12[%swap3A_110] {strides = array<i32>} : memref<640xf32, #tpu.memory_space<vmem>>, vector<16xf32>,
    %swap3A_112 = vector.shape_cast %swap3A_111 : vector<16xf32> to vector<16xf32>
    %swap3A_113 = vector.shape_cast %broadcast_in_dim3A_109 : vector<16xf32> to vector<16xf32>
    tpu.vector_store %arg12[%swap3A_110], %swap3A_113 {strides = array<i32>} : memref<640xf32, #tpu.memory_space<vmem>>, vector<16xf32>,
    %broadcast_in_dim3A_114 = arith.constant 0.000000e+00 : f32
    %broadcast_in_dim3A_115 = vector.broadcast %broadcast_in_dim3A_114 : f32 to vector<16xf32>
    %swap3A_116 = arith.constant 288 : index
    %swap3A_117 = tpu.vector_load %arg12[%swap3A_116] {strides = array<i32>} : memref<640xf32, #tpu.memory_space<vmem>>, vector<16xf32>,
    %swap3A_118 = vector.shape_cast %swap3A_117 : vector<16xf32> to vector<16xf32>
    %swap3A_119 = vector.shape_cast %broadcast_in_dim3A_115 : vector<16xf32> to vector<16xf32>
    tpu.vector_store %arg12[%swap3A_116], %swap3A_119 {strides = array<i32>} : memref<640xf32, #tpu.memory_space<vmem>>, vector<16xf32>,
    %broadcast_in_dim3A_120 = arith.constant 0.000000e+00 : f32
    %broadcast_in_dim3A_121 = vector.broadcast %broadcast_in_dim3A_120 : f32 to vector<16xf32>
    %swap3A_122 = arith.constant 304 : index
    %swap3A_123 = tpu.vector_load %arg12[%swap3A_122] {strides = array<i32>} : memref<640xf32, #tpu.memory_space<vmem>>, vector<16xf32>,
    %swap3A_124 = vector.shape_cast %swap3A_123 : vector<16xf32> to vector<16xf32>
    %swap3A_125 = vector.shape_cast %broadcast_in_dim3A_121 : vector<16xf32> to vector<16xf32>
    tpu.vector_store %arg12[%swap3A_122], %swap3A_125 {strides = array<i32>} : memref<640xf32, #tpu.memory_space<vmem>>, vector<16xf32>,
    %broadcast_in_dim3A_126 = arith.constant 0.000000e+00 : f32
    %broadcast_in_dim3A_127 = vector.broadcast %broadcast_in_dim3A_126 : f32 to vector<16xf32>
    %swap3A_128 = arith.constant 320 : index
    %swap3A_129 = tpu.vector_load %arg12[%swap3A_128] {strides = array<i32>} : memref<640xf32, #tpu.memory_space<vmem>>, vector<16xf32>,
    %swap3A_130 = vector.shape_cast %swap3A_129 : vector<16xf32> to vector<16xf32>
    %swap3A_131 = vector.shape_cast %broadcast_in_dim3A_127 : vector<16xf32> to vector<16xf32>
    tpu.vector_store %arg12[%swap3A_128], %swap3A_131 {strides = array<i32>} : memref<640xf32, #tpu.memory_space<vmem>>, vector<16xf32>,
    %broadcast_in_dim3A_132 = arith.constant 0.000000e+00 : f32
    %broadcast_in_dim3A_133 = vector.broadcast %broadcast_in_dim3A_132 : f32 to vector<16xf32>
    %swap3A_134 = arith.constant 336 : index
    %swap3A_135 = tpu.vector_load %arg12[%swap3A_134] {strides = array<i32>} : memref<640xf32, #tpu.memory_space<vmem>>, vector<16xf32>,
    %swap3A_136 = vector.shape_cast %swap3A_135 : vector<16xf32> to vector<16xf32>
    %swap3A_137 = vector.shape_cast %broadcast_in_dim3A_133 : vector<16xf32> to vector<16xf32>
    tpu.vector_store %arg12[%swap3A_134], %swap3A_137 {strides = array<i32>} : memref<640xf32, #tpu.memory_space<vmem>>, vector<16xf32>,
    %broadcast_in_dim3A_138 = arith.constant 0.000000e+00 : f32
    %broadcast_in_dim3A_139 = vector.broadcast %broadcast_in_dim3A_138 : f32 to vector<16xf32>
    %swap3A_140 = arith.constant 352 : index
    %swap3A_141 = tpu.vector_load %arg12[%swap3A_140] {strides = array<i32>} : memref<640xf32, #tpu.memory_space<vmem>>, vector<16xf32>,
    %swap3A_142 = vector.shape_cast %swap3A_141 : vector<16xf32> to vector<16xf32>
    %swap3A_143 = vector.shape_cast %broadcast_in_dim3A_139 : vector<16xf32> to vector<16xf32>
    tpu.vector_store %arg12[%swap3A_140], %swap3A_143 {strides = array<i32>} : memref<640xf32, #tpu.memory_space<vmem>>, vector<16xf32>,
    %broadcast_in_dim3A_144 = arith.constant 0.000000e+00 : f32
    %broadcast_in_dim3A_145 = vector.broadcast %broadcast_in_dim3A_144 : f32 to vector<16xf32>
    %swap3A_146 = arith.constant 368 : index
    %swap3A_147 = tpu.vector_load %arg12[%swap3A_146] {strides = array<i32>} : memref<640xf32, #tpu.memory_space<vmem>>, vector<16xf32>,
    %swap3A_148 = vector.shape_cast %swap3A_147 : vector<16xf32> to vector<16xf32>
    %swap3A_149 = vector.shape_cast %broadcast_in_dim3A_145 : vector<16xf32> to vector<16xf32>
    tpu.vector_store %arg12[%swap3A_146], %swap3A_149 {strides = array<i32>} : memref<640xf32, #tpu.memory_space<vmem>>, vector<16xf32>,
    %broadcast_in_dim3A_150 = arith.constant 0.000000e+00 : f32
    %broadcast_in_dim3A_151 = vector.broadcast %broadcast_in_dim3A_150 : f32 to vector<16xf32>
    %swap3A_152 = arith.constant 384 : index
    %swap3A_153 = tpu.vector_load %arg12[%swap3A_152] {strides = array<i32>} : memref<640xf32, #tpu.memory_space<vmem>>, vector<16xf32>,
    %swap3A_154 = vector.shape_cast %swap3A_153 : vector<16xf32> to vector<16xf32>
    %swap3A_155 = vector.shape_cast %broadcast_in_dim3A_151 : vector<16xf32> to vector<16xf32>
    tpu.vector_store %arg12[%swap3A_152], %swap3A_155 {strides = array<i32>} : memref<640xf32, #tpu.memory_space<vmem>>, vector<16xf32>,
    %broadcast_in_dim3A_156 = arith.constant 0.000000e+00 : f32
    %broadcast_in_dim3A_157 = vector.broadcast %broadcast_in_dim3A_156 : f32 to vector<16xf32>
    %swap3A_158 = arith.constant 400 : index
    %swap3A_159 = tpu.vector_load %arg12[%swap3A_158] {strides = array<i32>} : memref<640xf32, #tpu.memory_space<vmem>>, vector<16xf32>,
    %swap3A_160 = vector.shape_cast %swap3A_159 : vector<16xf32> to vector<16xf32>
    %swap3A_161 = vector.shape_cast %broadcast_in_dim3A_157 : vector<16xf32> to vector<16xf32>
    tpu.vector_store %arg12[%swap3A_158], %swap3A_161 {strides = array<i32>} : memref<640xf32, #tpu.memory_space<vmem>>, vector<16xf32>,
    %broadcast_in_dim3A_162 = arith.constant 0.000000e+00 : f32
    %broadcast_in_dim3A_163 = vector.broadcast %broadcast_in_dim3A_162 : f32 to vector<16xf32>
    %swap3A_164 = arith.constant 416 : index
    %swap3A_165 = tpu.vector_load %arg12[%swap3A_164] {strides = array<i32>} : memref<640xf32, #tpu.memory_space<vmem>>, vector<16xf32>,
    %swap3A_166 = vector.shape_cast %swap3A_165 : vector<16xf32> to vector<16xf32>
    %swap3A_167 = vector.shape_cast %broadcast_in_dim3A_163 : vector<16xf32> to vector<16xf32>
    tpu.vector_store %arg12[%swap3A_164], %swap3A_167 {strides = array<i32>} : memref<640xf32, #tpu.memory_space<vmem>>, vector<16xf32>,
    %broadcast_in_dim3A_168 = arith.constant 0.000000e+00 : f32
    %broadcast_in_dim3A_169 = vector.broadcast %broadcast_in_dim3A_168 : f32 to vector<16xf32>
    %swap3A_170 = arith.constant 432 : index
    %swap3A_171 = tpu.vector_load %arg12[%swap3A_170] {strides = array<i32>} : memref<640xf32, #tpu.memory_space<vmem>>, vector<16xf32>,
    %swap3A_172 = vector.shape_cast %swap3A_171 : vector<16xf32> to vector<16xf32>
    %swap3A_173 = vector.shape_cast %broadcast_in_dim3A_169 : vector<16xf32> to vector<16xf32>
    tpu.vector_store %arg12[%swap3A_170], %swap3A_173 {strides = array<i32>} : memref<640xf32, #tpu.memory_space<vmem>>, vector<16xf32>,
    %broadcast_in_dim3A_174 = arith.constant 0.000000e+00 : f32
    %broadcast_in_dim3A_175 = vector.broadcast %broadcast_in_dim3A_174 : f32 to vector<16xf32>
    %swap3A_176 = arith.constant 448 : index
    %swap3A_177 = tpu.vector_load %arg12[%swap3A_176] {strides = array<i32>} : memref<640xf32, #tpu.memory_space<vmem>>, vector<16xf32>,
    %swap3A_178 = vector.shape_cast %swap3A_177 : vector<16xf32> to vector<16xf32>
    %swap3A_179 = vector.shape_cast %broadcast_in_dim3A_175 : vector<16xf32> to vector<16xf32>
    tpu.vector_store %arg12[%swap3A_176], %swap3A_179 {strides = array<i32>} : memref<640xf32, #tpu.memory_space<vmem>>, vector<16xf32>,
    %broadcast_in_dim3A_180 = arith.constant 0.000000e+00 : f32
    %broadcast_in_dim3A_181 = vector.broadcast %broadcast_in_dim3A_180 : f32 to vector<16xf32>
    %swap3A_182 = arith.constant 464 : index
    %swap3A_183 = tpu.vector_load %arg12[%swap3A_182] {strides = array<i32>} : memref<640xf32, #tpu.memory_space<vmem>>, vector<16xf32>,
    %swap3A_184 = vector.shape_cast %swap3A_183 : vector<16xf32> to vector<16xf32>
    %swap3A_185 = vector.shape_cast %broadcast_in_dim3A_181 : vector<16xf32> to vector<16xf32>
    tpu.vector_store %arg12[%swap3A_182], %swap3A_185 {strides = array<i32>} : memref<640xf32, #tpu.memory_space<vmem>>, vector<16xf32>,
    %broadcast_in_dim3A_186 = arith.constant 0.000000e+00 : f32
    %broadcast_in_dim3A_187 = vector.broadcast %broadcast_in_dim3A_186 : f32 to vector<16xf32>
    %swap3A_188 = arith.constant 480 : index
    %swap3A_189 = tpu.vector_load %arg12[%swap3A_188] {strides = array<i32>} : memref<640xf32, #tpu.memory_space<vmem>>, vector<16xf32>,
    %swap3A_190 = vector.shape_cast %swap3A_189 : vector<16xf32> to vector<16xf32>
    %swap3A_191 = vector.shape_cast %broadcast_in_dim3A_187 : vector<16xf32> to vector<16xf32>
    tpu.vector_store %arg12[%swap3A_188], %swap3A_191 {strides = array<i32>} : memref<640xf32, #tpu.memory_space<vmem>>, vector<16xf32>,
    %broadcast_in_dim3A_192 = arith.constant 0.000000e+00 : f32
    %broadcast_in_dim3A_193 = vector.broadcast %broadcast_in_dim3A_192 : f32 to vector<16xf32>
    %swap3A_194 = arith.constant 496 : index
    %swap3A_195 = tpu.vector_load %arg12[%swap3A_194] {strides = array<i32>} : memref<640xf32, #tpu.memory_space<vmem>>, vector<16xf32>,
    %swap3A_196 = vector.shape_cast %swap3A_195 : vector<16xf32> to vector<16xf32>
    %swap3A_197 = vector.shape_cast %broadcast_in_dim3A_193 : vector<16xf32> to vector<16xf32>
    tpu.vector_store %arg12[%swap3A_194], %swap3A_197 {strides = array<i32>} : memref<640xf32, #tpu.memory_space<vmem>>, vector<16xf32>,
    %broadcast_in_dim3A_198 = arith.constant 0.000000e+00 : f32
    %broadcast_in_dim3A_199 = vector.broadcast %broadcast_in_dim3A_198 : f32 to vector<16xf32>
    %swap3A_200 = arith.constant 512 : index
    %swap3A_201 = tpu.vector_load %arg12[%swap3A_200] {strides = array<i32>} : memref<640xf32, #tpu.memory_space<vmem>>, vector<16xf32>,
    %swap3A_202 = vector.shape_cast %swap3A_201 : vector<16xf32> to vector<16xf32>
    %swap3A_203 = vector.shape_cast %broadcast_in_dim3A_199 : vector<16xf32> to vector<16xf32>
    tpu.vector_store %arg12[%swap3A_200], %swap3A_203 {strides = array<i32>} : memref<640xf32, #tpu.memory_space<vmem>>, vector<16xf32>,
    %broadcast_in_dim3A_204 = arith.constant 0.000000e+00 : f32
    %broadcast_in_dim3A_205 = vector.broadcast %broadcast_in_dim3A_204 : f32 to vector<16xf32>
    %swap3A_206 = arith.constant 528 : index
    %swap3A_207 = tpu.vector_load %arg12[%swap3A_206] {strides = array<i32>} : memref<640xf32, #tpu.memory_space<vmem>>, vector<16xf32>,
    %swap3A_208 = vector.shape_cast %swap3A_207 : vector<16xf32> to vector<16xf32>
    %swap3A_209 = vector.shape_cast %broadcast_in_dim3A_205 : vector<16xf32> to vector<16xf32>
    tpu.vector_store %arg12[%swap3A_206], %swap3A_209 {strides = array<i32>} : memref<640xf32, #tpu.memory_space<vmem>>, vector<16xf32>,
    %broadcast_in_dim3A_210 = arith.constant 0.000000e+00 : f32
    %broadcast_in_dim3A_211 = vector.broadcast %broadcast_in_dim3A_210 : f32 to vector<16xf32>
    %swap3A_212 = arith.constant 544 : index
    %swap3A_213 = tpu.vector_load %arg12[%swap3A_212] {strides = array<i32>} : memref<640xf32, #tpu.memory_space<vmem>>, vector<16xf32>,
    %swap3A_214 = vector.shape_cast %swap3A_213 : vector<16xf32> to vector<16xf32>
    %swap3A_215 = vector.shape_cast %broadcast_in_dim3A_211 : vector<16xf32> to vector<16xf32>
    tpu.vector_store %arg12[%swap3A_212], %swap3A_215 {strides = array<i32>} : memref<640xf32, #tpu.memory_space<vmem>>, vector<16xf32>,
    %broadcast_in_dim3A_216 = arith.constant 0.000000e+00 : f32
    %broadcast_in_dim3A_217 = vector.broadcast %broadcast_in_dim3A_216 : f32 to vector<16xf32>
    %swap3A_218 = arith.constant 560 : index
    %swap3A_219 = tpu.vector_load %arg12[%swap3A_218] {strides = array<i32>} : memref<640xf32, #tpu.memory_space<vmem>>, vector<16xf32>,
    %swap3A_220 = vector.shape_cast %swap3A_219 : vector<16xf32> to vector<16xf32>
    %swap3A_221 = vector.shape_cast %broadcast_in_dim3A_217 : vector<16xf32> to vector<16xf32>
    tpu.vector_store %arg12[%swap3A_218], %swap3A_221 {strides = array<i32>} : memref<640xf32, #tpu.memory_space<vmem>>, vector<16xf32>,
    %broadcast_in_dim3A_222 = arith.constant 0.000000e+00 : f32
    %broadcast_in_dim3A_223 = vector.broadcast %broadcast_in_dim3A_222 : f32 to vector<16xf32>
    %swap3A_224 = arith.constant 576 : index
    %swap3A_225 = tpu.vector_load %arg12[%swap3A_224] {strides = array<i32>} : memref<640xf32, #tpu.memory_space<vmem>>, vector<16xf32>,
    %swap3A_226 = vector.shape_cast %swap3A_225 : vector<16xf32> to vector<16xf32>
    %swap3A_227 = vector.shape_cast %broadcast_in_dim3A_223 : vector<16xf32> to vector<16xf32>
    tpu.vector_store %arg12[%swap3A_224], %swap3A_227 {strides = array<i32>} : memref<640xf32, #tpu.memory_space<vmem>>, vector<16xf32>,
    %broadcast_in_dim3A_228 = arith.constant 0.000000e+00 : f32
    %broadcast_in_dim3A_229 = vector.broadcast %broadcast_in_dim3A_228 : f32 to vector<16xf32>
    %swap3A_230 = arith.constant 592 : index
    %swap3A_231 = tpu.vector_load %arg12[%swap3A_230] {strides = array<i32>} : memref<640xf32, #tpu.memory_space<vmem>>, vector<16xf32>,
    %swap3A_232 = vector.shape_cast %swap3A_231 : vector<16xf32> to vector<16xf32>
    %swap3A_233 = vector.shape_cast %broadcast_in_dim3A_229 : vector<16xf32> to vector<16xf32>
    tpu.vector_store %arg12[%swap3A_230], %swap3A_233 {strides = array<i32>} : memref<640xf32, #tpu.memory_space<vmem>>, vector<16xf32>,
    %broadcast_in_dim3A_234 = arith.constant 0.000000e+00 : f32
    %broadcast_in_dim3A_235 = vector.broadcast %broadcast_in_dim3A_234 : f32 to vector<16xf32>
    %swap3A_236 = arith.constant 608 : index
    %swap3A_237 = tpu.vector_load %arg12[%swap3A_236] {strides = array<i32>} : memref<640xf32, #tpu.memory_space<vmem>>, vector<16xf32>,
    %swap3A_238 = vector.shape_cast %swap3A_237 : vector<16xf32> to vector<16xf32>
    %swap3A_239 = vector.shape_cast %broadcast_in_dim3A_235 : vector<16xf32> to vector<16xf32>
    tpu.vector_store %arg12[%swap3A_236], %swap3A_239 {strides = array<i32>} : memref<640xf32, #tpu.memory_space<vmem>>, vector<16xf32>,
    %broadcast_in_dim3A_240 = arith.constant 0.000000e+00 : f32
    %broadcast_in_dim3A_241 = vector.broadcast %broadcast_in_dim3A_240 : f32 to vector<16xf32>
    %swap3A_242 = arith.constant 624 : index
    %swap3A_243 = tpu.vector_load %arg12[%swap3A_242] {strides = array<i32>} : memref<640xf32, #tpu.memory_space<vmem>>, vector<16xf32>,
    %swap3A_244 = vector.shape_cast %swap3A_243 : vector<16xf32> to vector<16xf32>
    %swap3A_245 = vector.shape_cast %broadcast_in_dim3A_241 : vector<16xf32> to vector<16xf32>
    tpu.vector_store %arg12[%swap3A_242], %swap3A_245 {strides = array<i32>} : memref<640xf32, #tpu.memory_space<vmem>>, vector<16xf32>,
    %broadcast_in_dim3A_246 = arith.constant 1.000000e+00 : f32
    %broadcast_in_dim3A_247 = vector.broadcast %broadcast_in_dim3A_246 : f32 to vector<16xf32>
    %swap3A_248 = arith.constant 0 : index
    %swap3A_249 = tpu.vector_load %arg11[%swap3A_248] {strides = array<i32>} : memref<128xf32, #tpu.memory_space<vmem>>, vector<16xf32>,
    %swap3A_250 = vector.shape_cast %swap3A_249 : vector<16xf32> to vector<16xf32>
    %swap3A_251 = vector.shape_cast %broadcast_in_dim3A_247 : vector<16xf32> to vector<16xf32>
    tpu.vector_store %arg11[%swap3A_248], %swap3A_251 {strides = array<i32>} : memref<128xf32, #tpu.memory_space<vmem>>, vector<16xf32>,
    %broadcast_in_dim3A_252 = arith.constant 1.000000e+00 : f32
    %broadcast_in_dim3A_253 = vector.broadcast %broadcast_in_dim3A_252 : f32 to vector<16xf32>
    %swap3A_254 = arith.constant 16 : index
    %swap3A_255 = tpu.vector_load %arg11[%swap3A_254] {strides = array<i32>} : memref<128xf32, #tpu.memory_space<vmem>>, vector<16xf32>,
    %swap3A_256 = vector.shape_cast %swap3A_255 : vector<16xf32> to vector<16xf32>
    %swap3A_257 = vector.shape_cast %broadcast_in_dim3A_253 : vector<16xf32> to vector<16xf32>
    tpu.vector_store %arg11[%swap3A_254], %swap3A_257 {strides = array<i32>} : memref<128xf32, #tpu.memory_space<vmem>>, vector<16xf32>,
    %broadcast_in_dim3A_258 = arith.constant 1.000000e+00 : f32
    %broadcast_in_dim3A_259 = vector.broadcast %broadcast_in_dim3A_258 : f32 to vector<16xf32>
    %swap3A_260 = arith.constant 32 : index
    %swap3A_261 = tpu.vector_load %arg11[%swap3A_260] {strides = array<i32>} : memref<128xf32, #tpu.memory_space<vmem>>, vector<16xf32>,
    %swap3A_262 = vector.shape_cast %swap3A_261 : vector<16xf32> to vector<16xf32>
    %swap3A_263 = vector.shape_cast %broadcast_in_dim3A_259 : vector<16xf32> to vector<16xf32>
    tpu.vector_store %arg11[%swap3A_260], %swap3A_263 {strides = array<i32>} : memref<128xf32, #tpu.memory_space<vmem>>, vector<16xf32>,
    %broadcast_in_dim3A_264 = arith.constant 1.000000e+00 : f32
    %broadcast_in_dim3A_265 = vector.broadcast %broadcast_in_dim3A_264 : f32 to vector<16xf32>
    %swap3A_266 = arith.constant 48 : index
    %swap3A_267 = tpu.vector_load %arg11[%swap3A_266] {strides = array<i32>} : memref<128xf32, #tpu.memory_space<vmem>>, vector<16xf32>,
    %swap3A_268 = vector.shape_cast %swap3A_267 : vector<16xf32> to vector<16xf32>
    %swap3A_269 = vector.shape_cast %broadcast_in_dim3A_265 : vector<16xf32> to vector<16xf32>
    tpu.vector_store %arg11[%swap3A_266], %swap3A_269 {strides = array<i32>} : memref<128xf32, #tpu.memory_space<vmem>>, vector<16xf32>,
    %broadcast_in_dim3A_270 = arith.constant 1.000000e+00 : f32
    %broadcast_in_dim3A_271 = vector.broadcast %broadcast_in_dim3A_270 : f32 to vector<16xf32>
    %swap3A_272 = arith.constant 64 : index
    %swap3A_273 = tpu.vector_load %arg11[%swap3A_272] {strides = array<i32>} : memref<128xf32, #tpu.memory_space<vmem>>, vector<16xf32>,
    %swap3A_274 = vector.shape_cast %swap3A_273 : vector<16xf32> to vector<16xf32>
    %swap3A_275 = vector.shape_cast %broadcast_in_dim3A_271 : vector<16xf32> to vector<16xf32>
    tpu.vector_store %arg11[%swap3A_272], %swap3A_275 {strides = array<i32>} : memref<128xf32, #tpu.memory_space<vmem>>, vector<16xf32>,
    %broadcast_in_dim3A_276 = arith.constant 1.000000e+00 : f32
    %broadcast_in_dim3A_277 = vector.broadcast %broadcast_in_dim3A_276 : f32 to vector<16xf32>
    %swap3A_278 = arith.constant 80 : index
    %swap3A_279 = tpu.vector_load %arg11[%swap3A_278] {strides = array<i32>} : memref<128xf32, #tpu.memory_space<vmem>>, vector<16xf32>,
    %swap3A_280 = vector.shape_cast %swap3A_279 : vector<16xf32> to vector<16xf32>
    %swap3A_281 = vector.shape_cast %broadcast_in_dim3A_277 : vector<16xf32> to vector<16xf32>
    tpu.vector_store %arg11[%swap3A_278], %swap3A_281 {strides = array<i32>} : memref<128xf32, #tpu.memory_space<vmem>>, vector<16xf32>,
    %broadcast_in_dim3A_282 = arith.constant 1.000000e+00 : f32
    %broadcast_in_dim3A_283 = vector.broadcast %broadcast_in_dim3A_282 : f32 to vector<16xf32>
    %swap3A_284 = arith.constant 96 : index
    %swap3A_285 = tpu.vector_load %arg11[%swap3A_284] {strides = array<i32>} : memref<128xf32, #tpu.memory_space<vmem>>, vector<16xf32>,
    %swap3A_286 = vector.shape_cast %swap3A_285 : vector<16xf32> to vector<16xf32>
    %swap3A_287 = vector.shape_cast %broadcast_in_dim3A_283 : vector<16xf32> to vector<16xf32>
    tpu.vector_store %arg11[%swap3A_284], %swap3A_287 {strides = array<i32>} : memref<128xf32, #tpu.memory_space<vmem>>, vector<16xf32>,
    %broadcast_in_dim3A_288 = arith.constant 1.000000e+00 : f32
    %broadcast_in_dim3A_289 = vector.broadcast %broadcast_in_dim3A_288 : f32 to vector<16xf32>
    %swap3A_290 = arith.constant 112 : index
    %swap3A_291 = tpu.vector_load %arg11[%swap3A_290] {strides = array<i32>} : memref<128xf32, #tpu.memory_space<vmem>>, vector<16xf32>,
    %swap3A_292 = vector.shape_cast %swap3A_291 : vector<16xf32> to vector<16xf32>
    %swap3A_293 = vector.shape_cast %broadcast_in_dim3A_289 : vector<16xf32> to vector<16xf32>
    tpu.vector_store %arg11[%swap3A_290], %swap3A_293 {strides = array<i32>} : memref<128xf32, #tpu.memory_space<vmem>>, vector<16xf32>,
    %add3A_294 = arith.constant 0 : i32
    %add3A_295 = arith.addi %mul3A_2, %add3A_294 : i32
    "tpu.region"() ({
      %run_scoped3A = tpu.sem_alloc : memref<!tpu.dma_semaphore, #tpu.memory_space<semaphore_mem>>
      %dma_start3A_333 = arith.constant 0 : i32
      %dma_start3A_334 = tpu.memref_slice %arg13[%add3A_295, %dma_start3A_333] : memref<10240x128xf32, #tpu.memory_space<vmem_shared>> -> memref<128x128xf32, #tpu.memory_space<vmem_shared>>
      %dma_start3A_335 = arith.constant 0 : i32
      %dma_start3A_336 = tpu.memref_slice %arg13[%add3A_295, %dma_start3A_335] : memref<10240x128xf32, #tpu.memory_space<vmem_shared>> -> memref<128x128xf32, #tpu.memory_space<vmem_shared>>
      tpu.enqueue_dma source(%arg9 : memref<128x128xf32, #tpu.memory_space<vmem>>) target(%dma_start3A_336 : memref<128x128xf32, #tpu.memory_space<vmem_shared>>) target_semaphore(%run_scoped3A : memref<!tpu.dma_semaphore, #tpu.memory_space<semaphore_mem>>)
      %dma_wait3A = arith.constant 0 : i32
      %dma_wait3A_337 = tpu.memref_slice %arg13[%add3A_295, %dma_wait3A] : memref<10240x128xf32, #tpu.memory_space<vmem_shared>> -> memref<128x128xf32, #tpu.memory_space<vmem_shared>>
      %dma_wait3A_338 = arith.constant 0 : i32
      %dma_wait3A_339 = tpu.memref_slice %arg13[%add3A_295, %dma_wait3A_338] : memref<10240x128xf32, #tpu.memory_space<vmem_shared>> -> memref<128x128xf32, #tpu.memory_space<vmem_shared>>
      tpu.wait_dma2 semaphore(%run_scoped3A : memref<!tpu.dma_semaphore, #tpu.memory_space<semaphore_mem>>) src(%arg9 : memref<128x128xf32, #tpu.memory_space<vmem>>) dst(%dma_wait3A_339 : memref<128x128xf32, #tpu.memory_space<vmem_shared>>)
      tpu.yield
    }) : () -> ()
    %add3A_296 = arith.constant 128 : i32
    %add3A_297 = arith.addi %mul3A_2, %add3A_296 : i32
    "tpu.region"() ({
      %run_scoped3A = tpu.sem_alloc : memref<!tpu.dma_semaphore, #tpu.memory_space<semaphore_mem>>
      %dma_start3A_333 = arith.constant 0 : i32
      %dma_start3A_334 = tpu.memref_slice %arg13[%add3A_297, %dma_start3A_333] : memref<10240x128xf32, #tpu.memory_space<vmem_shared>> -> memref<128x128xf32, #tpu.memory_space<vmem_shared>>
      %dma_start3A_335 = arith.constant 0 : i32
      %dma_start3A_336 = tpu.memref_slice %arg13[%add3A_297, %dma_start3A_335] : memref<10240x128xf32, #tpu.memory_space<vmem_shared>> -> memref<128x128xf32, #tpu.memory_space<vmem_shared>>
      tpu.enqueue_dma source(%arg9 : memref<128x128xf32, #tpu.memory_space<vmem>>) target(%dma_start3A_336 : memref<128x128xf32, #tpu.memory_space<vmem_shared>>) target_semaphore(%run_scoped3A : memref<!tpu.dma_semaphore, #tpu.memory_space<semaphore_mem>>)
      %dma_wait3A = arith.constant 0 : i32
      %dma_wait3A_337 = tpu.memref_slice %arg13[%add3A_297, %dma_wait3A] : memref<10240x128xf32, #tpu.memory_space<vmem_shared>> -> memref<128x128xf32, #tpu.memory_space<vmem_shared>>
      %dma_wait3A_338 = arith.constant 0 : i32
      %dma_wait3A_339 = tpu.memref_slice %arg13[%add3A_297, %dma_wait3A_338] : memref<10240x128xf32, #tpu.memory_space<vmem_shared>> -> memref<128x128xf32, #tpu.memory_space<vmem_shared>>
      tpu.wait_dma2 semaphore(%run_scoped3A : memref<!tpu.dma_semaphore, #tpu.memory_space<semaphore_mem>>) src(%arg9 : memref<128x128xf32, #tpu.memory_space<vmem>>) dst(%dma_wait3A_339 : memref<128x128xf32, #tpu.memory_space<vmem_shared>>)
      tpu.yield
    }) : () -> ()
    %add3A_298 = arith.constant 256 : i32
    %add3A_299 = arith.addi %mul3A_2, %add3A_298 : i32
    "tpu.region"() ({
      %run_scoped3A = tpu.sem_alloc : memref<!tpu.dma_semaphore, #tpu.memory_space<semaphore_mem>>
      %dma_start3A_333 = arith.constant 0 : i32
      %dma_start3A_334 = tpu.memref_slice %arg13[%add3A_299, %dma_start3A_333] : memref<10240x128xf32, #tpu.memory_space<vmem_shared>> -> memref<128x128xf32, #tpu.memory_space<vmem_shared>>
      %dma_start3A_335 = arith.constant 0 : i32
      %dma_start3A_336 = tpu.memref_slice %arg13[%add3A_299, %dma_start3A_335] : memref<10240x128xf32, #tpu.memory_space<vmem_shared>> -> memref<128x128xf32, #tpu.memory_space<vmem_shared>>
      tpu.enqueue_dma source(%arg9 : memref<128x128xf32, #tpu.memory_space<vmem>>) target(%dma_start3A_336 : memref<128x128xf32, #tpu.memory_space<vmem_shared>>) target_semaphore(%run_scoped3A : memref<!tpu.dma_semaphore, #tpu.memory_space<semaphore_mem>>)
      %dma_wait3A = arith.constant 0 : i32
      %dma_wait3A_337 = tpu.memref_slice %arg13[%add3A_299, %dma_wait3A] : memref<10240x128xf32, #tpu.memory_space<vmem_shared>> -> memref<128x128xf32, #tpu.memory_space<vmem_shared>>
      %dma_wait3A_338 = arith.constant 0 : i32
      %dma_wait3A_339 = tpu.memref_slice %arg13[%add3A_299, %dma_wait3A_338] : memref<10240x128xf32, #tpu.memory_space<vmem_shared>> -> memref<128x128xf32, #tpu.memory_space<vmem_shared>>
      tpu.wait_dma2 semaphore(%run_scoped3A : memref<!tpu.dma_semaphore, #tpu.memory_space<semaphore_mem>>) src(%arg9 : memref<128x128xf32, #tpu.memory_space<vmem>>) dst(%dma_wait3A_339 : memref<128x128xf32, #tpu.memory_space<vmem_shared>>)
      tpu.yield
    }) : () -> ()
    %add3A_300 = arith.constant 384 : i32
    %add3A_301 = arith.addi %mul3A_2, %add3A_300 : i32
    "tpu.region"() ({
      %run_scoped3A = tpu.sem_alloc : memref<!tpu.dma_semaphore, #tpu.memory_space<semaphore_mem>>
      %dma_start3A_333 = arith.constant 0 : i32
      %dma_start3A_334 = tpu.memref_slice %arg13[%add3A_301, %dma_start3A_333] : memref<10240x128xf32, #tpu.memory_space<vmem_shared>> -> memref<128x128xf32, #tpu.memory_space<vmem_shared>>
      %dma_start3A_335 = arith.constant 0 : i32
      %dma_start3A_336 = tpu.memref_slice %arg13[%add3A_301, %dma_start3A_335] : memref<10240x128xf32, #tpu.memory_space<vmem_shared>> -> memref<128x128xf32, #tpu.memory_space<vmem_shared>>
      tpu.enqueue_dma source(%arg9 : memref<128x128xf32, #tpu.memory_space<vmem>>) target(%dma_start3A_336 : memref<128x128xf32, #tpu.memory_space<vmem_shared>>) target_semaphore(%run_scoped3A : memref<!tpu.dma_semaphore, #tpu.memory_space<semaphore_mem>>)
      %dma_wait3A = arith.constant 0 : i32
      %dma_wait3A_337 = tpu.memref_slice %arg13[%add3A_301, %dma_wait3A] : memref<10240x128xf32, #tpu.memory_space<vmem_shared>> -> memref<128x128xf32, #tpu.memory_space<vmem_shared>>
      %dma_wait3A_338 = arith.constant 0 : i32
      %dma_wait3A_339 = tpu.memref_slice %arg13[%add3A_301, %dma_wait3A_338] : memref<10240x128xf32, #tpu.memory_space<vmem_shared>> -> memref<128x128xf32, #tpu.memory_space<vmem_shared>>
      tpu.wait_dma2 semaphore(%run_scoped3A : memref<!tpu.dma_semaphore, #tpu.memory_space<semaphore_mem>>) src(%arg9 : memref<128x128xf32, #tpu.memory_space<vmem>>) dst(%dma_wait3A_339 : memref<128x128xf32, #tpu.memory_space<vmem_shared>>)
      tpu.yield
    }) : () -> ()
    %add3A_302 = arith.constant 512 : i32
    %add3A_303 = arith.addi %mul3A_2, %add3A_302 : i32
    "tpu.region"() ({
      %run_scoped3A = tpu.sem_alloc : memref<!tpu.dma_semaphore, #tpu.memory_space<semaphore_mem>>
      %dma_start3A_333 = arith.constant 0 : i32
      %dma_start3A_334 = tpu.memref_slice %arg13[%add3A_303, %dma_start3A_333] : memref<10240x128xf32, #tpu.memory_space<vmem_shared>> -> memref<128x128xf32, #tpu.memory_space<vmem_shared>>
      %dma_start3A_335 = arith.constant 0 : i32
      %dma_start3A_336 = tpu.memref_slice %arg13[%add3A_303, %dma_start3A_335] : memref<10240x128xf32, #tpu.memory_space<vmem_shared>> -> memref<128x128xf32, #tpu.memory_space<vmem_shared>>
      tpu.enqueue_dma source(%arg9 : memref<128x128xf32, #tpu.memory_space<vmem>>) target(%dma_start3A_336 : memref<128x128xf32, #tpu.memory_space<vmem_shared>>) target_semaphore(%run_scoped3A : memref<!tpu.dma_semaphore, #tpu.memory_space<semaphore_mem>>)
      %dma_wait3A = arith.constant 0 : i32
      %dma_wait3A_337 = tpu.memref_slice %arg13[%add3A_303, %dma_wait3A] : memref<10240x128xf32, #tpu.memory_space<vmem_shared>> -> memref<128x128xf32, #tpu.memory_space<vmem_shared>>
      %dma_wait3A_338 = arith.constant 0 : i32
      %dma_wait3A_339 = tpu.memref_slice %arg13[%add3A_303, %dma_wait3A_338] : memref<10240x128xf32, #tpu.memory_space<vmem_shared>> -> memref<128x128xf32, #tpu.memory_space<vmem_shared>>
      tpu.wait_dma2 semaphore(%run_scoped3A : memref<!tpu.dma_semaphore, #tpu.memory_space<semaphore_mem>>) src(%arg9 : memref<128x128xf32, #tpu.memory_space<vmem>>) dst(%dma_wait3A_339 : memref<128x128xf32, #tpu.memory_space<vmem_shared>>)
      tpu.yield
    }) : () -> ()
    "tpu.region"() ({
      %run_scoped3A = tpu.sem_alloc : memref<!tpu.dma_semaphore, #tpu.memory_space<semaphore_mem>>
      %dma_start3A_333 = tpu.memref_slice %arg14[%mul3A_2] : memref<10240xf32, #tpu.memory_space<vmem_shared>> -> memref<640xf32, #tpu.memory_space<vmem_shared>>
      %dma_start3A_334 = tpu.memref_slice %arg14[%mul3A_2] : memref<10240xf32, #tpu.memory_space<vmem_shared>> -> memref<640xf32, #tpu.memory_space<vmem_shared>>
      tpu.enqueue_dma source(%arg12 : memref<640xf32, #tpu.memory_space<vmem>>) target(%dma_start3A_334 : memref<640xf32, #tpu.memory_space<vmem_shared>>) target_semaphore(%run_scoped3A : memref<!tpu.dma_semaphore, #tpu.memory_space<semaphore_mem>>)
      %dma_wait3A = tpu.memref_slice %arg14[%mul3A_2] : memref<10240xf32, #tpu.memory_space<vmem_shared>> -> memref<640xf32, #tpu.memory_space<vmem_shared>>
      %dma_wait3A_335 = tpu.memref_slice %arg14[%mul3A_2] : memref<10240xf32, #tpu.memory_space<vmem_shared>> -> memref<640xf32, #tpu.memory_space<vmem_shared>>
      tpu.wait_dma2 semaphore(%run_scoped3A : memref<!tpu.dma_semaphore, #tpu.memory_space<semaphore_mem>>) src(%arg12 : memref<640xf32, #tpu.memory_space<vmem>>) dst(%dma_wait3A_335 : memref<640xf32, #tpu.memory_space<vmem_shared>>)
      tpu.yield
    }) : () -> ()
    %barrier3A = arith.constant 0 : index
    tpu.barrier barrier_id(%barrier3A)
    "tpu.region"() ({
      %run_scoped3A = tpu.sem_alloc : memref<!tpu.dma_semaphore, #tpu.memory_space<semaphore_mem>>
      %dma_start3A_333 = arith.constant 0 : i32
      %dma_start3A_334 = arith.constant 0 : i32
      %dma_start3A_335 = tpu.memref_slice %arg7[%dma_start3A_333, %dma_start3A_334] : memref<40x128xi32, #tpu.memory_space<vmem>> -> memref<40x128xi32, #tpu.memory_space<vmem>>
      %dma_start3A_336 = arith.constant 0 : i32
      %dma_start3A_337 = arith.constant 0 : i32
      %dma_start3A_338 = tpu.memref_slice %arg2[%add3A, %dma_start3A_336, %dma_start3A_337] : memref<32x79x128xi32, #tpu.memory_space<hbm>> -> memref<1x40x128xi32, #tpu.memory_space<hbm>>
      %dma_start3A_339 = tpu.memref_squeeze %dma_start3A_338 : memref<1x40x128xi32, #tpu.memory_space<hbm>> -> memref<40x128xi32, #tpu.memory_space<hbm>>
      %dma_start3A_340 = arith.constant 0 : i32
      %dma_start3A_341 = arith.constant 0 : i32
      %dma_start3A_342 = tpu.memref_slice %arg7[%dma_start3A_340, %dma_start3A_341] : memref<40x128xi32, #tpu.memory_space<vmem>> -> memref<40x128xi32, #tpu.memory_space<vmem>>
      %dma_start3A_343 = arith.constant 0 : i32
      %dma_start3A_344 = arith.constant 0 : i32
      %dma_start3A_345 = tpu.memref_slice %arg2[%add3A, %dma_start3A_343, %dma_start3A_344] : memref<32x79x128xi32, #tpu.memory_space<hbm>> -> memref<1x40x128xi32, #tpu.memory_space<hbm>>
      %dma_start3A_346 = tpu.memref_squeeze %dma_start3A_345 : memref<1x40x128xi32, #tpu.memory_space<hbm>> -> memref<40x128xi32, #tpu.memory_space<hbm>>
      tpu.enqueue_dma source(%dma_start3A_346 : memref<40x128xi32, #tpu.memory_space<hbm>>) target(%dma_start3A_342 : memref<40x128xi32, #tpu.memory_space<vmem>>) target_semaphore(%run_scoped3A : memref<!tpu.dma_semaphore, #tpu.memory_space<semaphore_mem>>)
      %dma_wait3A = arith.constant 0 : i32
      %dma_wait3A_347 = arith.constant 0 : i32
      %dma_wait3A_348 = tpu.memref_slice %arg7[%dma_wait3A, %dma_wait3A_347] : memref<40x128xi32, #tpu.memory_space<vmem>> -> memref<40x128xi32, #tpu.memory_space<vmem>>
      %dma_wait3A_349 = arith.constant 0 : i32
      %dma_wait3A_350 = arith.constant 0 : i32
      %dma_wait3A_351 = tpu.memref_slice %arg2[%add3A, %dma_wait3A_349, %dma_wait3A_350] : memref<32x79x128xi32, #tpu.memory_space<hbm>> -> memref<1x40x128xi32, #tpu.memory_space<hbm>>
      %dma_wait3A_352 = tpu.memref_squeeze %dma_wait3A_351 : memref<1x40x128xi32, #tpu.memory_space<hbm>> -> memref<40x128xi32, #tpu.memory_space<hbm>>
      %dma_wait3A_353 = arith.constant 0 : i32
      %dma_wait3A_354 = arith.constant 0 : i32
      %dma_wait3A_355 = tpu.memref_slice %arg7[%dma_wait3A_353, %dma_wait3A_354] : memref<40x128xi32, #tpu.memory_space<vmem>> -> memref<40x128xi32, #tpu.memory_space<vmem>>
      %dma_wait3A_356 = arith.constant 0 : i32
      %dma_wait3A_357 = arith.constant 0 : i32
      %dma_wait3A_358 = tpu.memref_slice %arg2[%add3A, %dma_wait3A_356, %dma_wait3A_357] : memref<32x79x128xi32, #tpu.memory_space<hbm>> -> memref<1x40x128xi32, #tpu.memory_space<hbm>>
      %dma_wait3A_359 = tpu.memref_squeeze %dma_wait3A_358 : memref<1x40x128xi32, #tpu.memory_space<hbm>> -> memref<40x128xi32, #tpu.memory_space<hbm>>
      tpu.wait_dma2 semaphore(%run_scoped3A : memref<!tpu.dma_semaphore, #tpu.memory_space<semaphore_mem>>) src(%dma_wait3A_359 : memref<40x128xi32, #tpu.memory_space<hbm>>) dst(%dma_wait3A_355 : memref<40x128xi32, #tpu.memory_space<vmem>>)
      tpu.yield
    }) : () -> ()
    "tpu.region"() ({
      %run_scoped3A = tpu.sem_alloc : memref<!tpu.dma_semaphore, #tpu.memory_space<semaphore_mem>>
      %dma_start3A_333 = arith.constant 0 : i32
      %dma_start3A_334 = arith.constant 0 : i32
      %dma_start3A_335 = tpu.memref_slice %arg8[%dma_start3A_333, %dma_start3A_334] : memref<40x128xi32, #tpu.memory_space<vmem>> -> memref<40x128xi32, #tpu.memory_space<vmem>>
      %dma_start3A_336 = arith.constant 0 : i32
      %dma_start3A_337 = arith.constant 0 : i32
      %dma_start3A_338 = tpu.memref_slice %arg3[%add3A, %dma_start3A_336, %dma_start3A_337] : memref<32x79x128xi32, #tpu.memory_space<hbm>> -> memref<1x40x128xi32, #tpu.memory_space<hbm>>
      %dma_start3A_339 = tpu.memref_squeeze %dma_start3A_338 : memref<1x40x128xi32, #tpu.memory_space<hbm>> -> memref<40x128xi32, #tpu.memory_space<hbm>>
      %dma_start3A_340 = arith.constant 0 : i32
      %dma_start3A_341 = arith.constant 0 : i32
      %dma_start3A_342 = tpu.memref_slice %arg8[%dma_start3A_340, %dma_start3A_341] : memref<40x128xi32, #tpu.memory_space<vmem>> -> memref<40x128xi32, #tpu.memory_space<vmem>>
      %dma_start3A_343 = arith.constant 0 : i32
      %dma_start3A_344 = arith.constant 0 : i32
      %dma_start3A_345 = tpu.memref_slice %arg3[%add3A, %dma_start3A_343, %dma_start3A_344] : memref<32x79x128xi32, #tpu.memory_space<hbm>> -> memref<1x40x128xi32, #tpu.memory_space<hbm>>
      %dma_start3A_346 = tpu.memref_squeeze %dma_start3A_345 : memref<1x40x128xi32, #tpu.memory_space<hbm>> -> memref<40x128xi32, #tpu.memory_space<hbm>>
      tpu.enqueue_dma source(%dma_start3A_346 : memref<40x128xi32, #tpu.memory_space<hbm>>) target(%dma_start3A_342 : memref<40x128xi32, #tpu.memory_space<vmem>>) target_semaphore(%run_scoped3A : memref<!tpu.dma_semaphore, #tpu.memory_space<semaphore_mem>>)
      %dma_wait3A = arith.constant 0 : i32
      %dma_wait3A_347 = arith.constant 0 : i32
      %dma_wait3A_348 = tpu.memref_slice %arg8[%dma_wait3A, %dma_wait3A_347] : memref<40x128xi32, #tpu.memory_space<vmem>> -> memref<40x128xi32, #tpu.memory_space<vmem>>
      %dma_wait3A_349 = arith.constant 0 : i32
      %dma_wait3A_350 = arith.constant 0 : i32
      %dma_wait3A_351 = tpu.memref_slice %arg3[%add3A, %dma_wait3A_349, %dma_wait3A_350] : memref<32x79x128xi32, #tpu.memory_space<hbm>> -> memref<1x40x128xi32, #tpu.memory_space<hbm>>
      %dma_wait3A_352 = tpu.memref_squeeze %dma_wait3A_351 : memref<1x40x128xi32, #tpu.memory_space<hbm>> -> memref<40x128xi32, #tpu.memory_space<hbm>>
      %dma_wait3A_353 = arith.constant 0 : i32
      %dma_wait3A_354 = arith.constant 0 : i32
      %dma_wait3A_355 = tpu.memref_slice %arg8[%dma_wait3A_353, %dma_wait3A_354] : memref<40x128xi32, #tpu.memory_space<vmem>> -> memref<40x128xi32, #tpu.memory_space<vmem>>
      %dma_wait3A_356 = arith.constant 0 : i32
      %dma_wait3A_357 = arith.constant 0 : i32
      %dma_wait3A_358 = tpu.memref_slice %arg3[%add3A, %dma_wait3A_356, %dma_wait3A_357] : memref<32x79x128xi32, #tpu.memory_space<hbm>> -> memref<1x40x128xi32, #tpu.memory_space<hbm>>
      %dma_wait3A_359 = tpu.memref_squeeze %dma_wait3A_358 : memref<1x40x128xi32, #tpu.memory_space<hbm>> -> memref<40x128xi32, #tpu.memory_space<hbm>>
      tpu.wait_dma2 semaphore(%run_scoped3A : memref<!tpu.dma_semaphore, #tpu.memory_space<semaphore_mem>>) src(%dma_wait3A_359 : memref<40x128xi32, #tpu.memory_space<hbm>>) dst(%dma_wait3A_355 : memref<40x128xi32, #tpu.memory_space<vmem>>)
      tpu.yield
    }) : () -> ()
    %dma_start3A = arith.constant 0 : i32
    %dma_start3A_304 = arith.constant 0 : i32
    %dma_start3A_305 = tpu.memref_slice %arg7[%dma_start3A, %dma_start3A_304] : memref<40x128xi32, #tpu.memory_space<vmem>> -> memref<1x128xi32, #tpu.memory_space<vmem>>
    %dma_start3A_306 = tpu.memref_squeeze %dma_start3A_305 : memref<1x128xi32, #tpu.memory_space<vmem>> -> memref<128xi32, #tpu.memory_space<vmem>>
    %dma_start3A_307 = arith.constant 0 : i32
    %dma_start3A_308 = arith.constant 0 : i32
    %dma_start3A_309 = tpu.memref_slice %arg4[%dma_start3A_307, %dma_start3A_308] : memref<10000x128xf32, #tpu.memory_space<hbm>> -> memref<10000x128xf32, #tpu.memory_space<hbm>>
    tpu.enqueue_indirect_dma source(%dma_start3A_309 : memref<10000x128xf32, #tpu.memory_space<hbm>>) target(%arg9 : memref<128x128xf32, #tpu.memory_space<vmem>>) offsets(%dma_start3A_306 : memref<128xi32, #tpu.memory_space<vmem>>) semaphore(%arg15 : memref<!tpu.dma_semaphore, #tpu.memory_space<semaphore_mem>>)
    %scan3A_310 = arith.constant 0 : i32
    %scan3A_311 = arith.constant 0 : i32
    %scan3A_312 = arith.constant 40 : i32
    %scan3A_313 = arith.addi %scan3A_311, %scan3A_312 : i32
    %scan3A_314 = arith.constant 1 : i32
    scf.for %scan3A_333 = %scan3A_311 to %scan3A_313 step %scan3A_314  : i32 {
      %jit3A = arith.constant 2 : i32
      %eq3A = arith.constant 0 : i32
      %eq3A_334 = arith.cmpi eq, %jit3A, %eq3A : i32
      %jit3A_335 = arith.constant 1 : i32
      %select_n3A = arith.select %eq3A_334, %jit3A_335, %jit3A : i32
      %rem3A = arith.remsi %scan3A_333, %select_n3A : i32
      %ne3A = arith.constant 0 : i32
      %ne3A_336 = arith.cmpi ne, %rem3A, %ne3A : i32
      %lt3A = arith.constant 0 : i32
      %lt3A_337 = arith.cmpi slt, %rem3A, %lt3A : i32
      %lt3A_338 = arith.constant 0 : i32
      %lt3A_339 = arith.cmpi slt, %select_n3A, %lt3A_338 : i32
      %ne3A_340 = arith.xori %lt3A_337, %lt3A_339 : i1
      %and3A = arith.andi %ne3A_340, %ne3A_336 : i1
      %add3A_341 = arith.addi %rem3A, %select_n3A : i32
      %select_n3A_342 = arith.select %and3A, %add3A_341, %rem3A : i32
      %eq3A_343 = arith.constant 0 : i32
      %eq3A_344 = arith.cmpi eq, %select_n3A_342, %eq3A_343 : i32
      %convert_element_type3A = arith.extui %eq3A_344 : i1 to i32
      %cond3A = arith.constant 0 : i32
      %cond3A_345 = arith.cmpi ne, %convert_element_type3A, %cond3A : i32
      scf.if %cond3A_345 {
        %add3A_367 = arith.constant 1 : i32
        %add3A_368 = arith.addi %scan3A_333, %add3A_367 : i32
        %lt3A_369 = arith.constant 40 : i32
        %lt3A_370 = arith.cmpi slt, %add3A_368, %lt3A_369 : i32
        %convert_element_type3A_371 = arith.extui %lt3A_370 : i1 to i32
        %cond3A_372 = arith.constant 0 : i32
        %cond3A_373 = arith.cmpi ne, %convert_element_type3A_371, %cond3A_372 : i32
        scf.if %cond3A_373 {
          %add3A_379 = arith.constant 1 : i32
          %add3A_380 = arith.addi %scan3A_333, %add3A_379 : i32
          %dma_start3A_381 = arith.constant 0 : i32
          %dma_start3A_382 = tpu.memref_slice %arg7[%add3A_380, %dma_start3A_381] : memref<40x128xi32, #tpu.memory_space<vmem>> -> memref<1x128xi32, #tpu.memory_space<vmem>>
          %dma_start3A_383 = tpu.memref_squeeze %dma_start3A_382 : memref<1x128xi32, #tpu.memory_space<vmem>> -> memref<128xi32, #tpu.memory_space<vmem>>
          %dma_start3A_384 = arith.constant 0 : i32
          %dma_start3A_385 = arith.constant 0 : i32
          %dma_start3A_386 = tpu.memref_slice %arg4[%dma_start3A_384, %dma_start3A_385] : memref<10000x128xf32, #tpu.memory_space<hbm>> -> memref<10000x128xf32, #tpu.memory_space<hbm>>
          tpu.enqueue_indirect_dma source(%dma_start3A_386 : memref<10000x128xf32, #tpu.memory_space<hbm>>) target(%arg10 : memref<128x128xf32, #tpu.memory_space<vmem>>) offsets(%dma_start3A_383 : memref<128xi32, #tpu.memory_space<vmem>>) semaphore(%arg16 : memref<!tpu.dma_semaphore, #tpu.memory_space<semaphore_mem>>)
        } else {
        }
        %dma_wait3A = arith.constant 0 : i32
        %dma_wait3A_374 = tpu.memref_slice %arg7[%scan3A_333, %dma_wait3A] : memref<40x128xi32, #tpu.memory_space<vmem>> -> memref<1x128xi32, #tpu.memory_space<vmem>>
        %dma_wait3A_375 = tpu.memref_squeeze %dma_wait3A_374 : memref<1x128xi32, #tpu.memory_space<vmem>> -> memref<128xi32, #tpu.memory_space<vmem>>
        %dma_wait3A_376 = arith.constant 0 : i32
        %dma_wait3A_377 = arith.constant 0 : i32
        %dma_wait3A_378 = tpu.memref_slice %arg4[%dma_wait3A_376, %dma_wait3A_377] : memref<10000x128xf32, #tpu.memory_space<hbm>> -> memref<10000x128xf32, #tpu.memory_space<hbm>>
        tpu.wait_indirect_dma semaphore(%arg15 : memref<!tpu.dma_semaphore, #tpu.memory_space<semaphore_mem>>) src(%dma_wait3A_378 : memref<10000x128xf32, #tpu.memory_space<hbm>>) dst(%arg9 : memref<128x128xf32, #tpu.memory_space<vmem>>)
        "tpu.region"() ({
          %run_scoped3A = tpu.sem_alloc : memref<!tpu.dma_semaphore, #tpu.memory_space<semaphore_mem>>
          %dma_start3A_379 = arith.constant 0 : i32
          %dma_start3A_380 = tpu.memref_slice %arg8[%scan3A_333, %dma_start3A_379] : memref<40x128xi32, #tpu.memory_space<vmem>> -> memref<1x128xi32, #tpu.memory_space<vmem>>
          %dma_start3A_381 = tpu.memref_squeeze %dma_start3A_380 : memref<1x128xi32, #tpu.memory_space<vmem>> -> memref<128xi32, #tpu.memory_space<vmem>>
          %dma_start3A_382 = arith.constant 0 : i32
          %dma_start3A_383 = arith.constant 0 : i32
          %dma_start3A_384 = tpu.memref_slice %arg13[%dma_start3A_382, %dma_start3A_383] : memref<10240x128xf32, #tpu.memory_space<vmem_shared>> -> memref<10240x128xf32, #tpu.memory_space<vmem_shared>>
          tpu.enqueue_indirect_dma source(%arg9 : memref<128x128xf32, #tpu.memory_space<vmem>>) target(%dma_start3A_384 : memref<10240x128xf32, #tpu.memory_space<vmem_shared>>) offsets(%dma_start3A_381 : memref<128xi32, #tpu.memory_space<vmem>>) semaphore(%run_scoped3A : memref<!tpu.dma_semaphore, #tpu.memory_space<semaphore_mem>>) {add = true}
          %dma_wait3A_385 = arith.constant 0 : i32
          %dma_wait3A_386 = tpu.memref_slice %arg8[%scan3A_333, %dma_wait3A_385] : memref<40x128xi32, #tpu.memory_space<vmem>> -> memref<1x128xi32, #tpu.memory_space<vmem>>
          %dma_wait3A_387 = tpu.memref_squeeze %dma_wait3A_386 : memref<1x128xi32, #tpu.memory_space<vmem>> -> memref<128xi32, #tpu.memory_space<vmem>>
          %dma_wait3A_388 = arith.constant 0 : i32
          %dma_wait3A_389 = arith.constant 0 : i32
          %dma_wait3A_390 = tpu.memref_slice %arg13[%dma_wait3A_388, %dma_wait3A_389] : memref<10240x128xf32, #tpu.memory_space<vmem_shared>> -> memref<10240x128xf32, #tpu.memory_space<vmem_shared>>
          tpu.wait_indirect_dma semaphore(%run_scoped3A : memref<!tpu.dma_semaphore, #tpu.memory_space<semaphore_mem>>) src(%arg9 : memref<128x128xf32, #tpu.memory_space<vmem>>) dst(%dma_wait3A_390 : memref<10240x128xf32, #tpu.memory_space<vmem_shared>>)
          tpu.yield
        }) : () -> ()
        "tpu.region"() ({
          %run_scoped3A = tpu.sem_alloc : memref<!tpu.dma_semaphore, #tpu.memory_space<semaphore_mem>>
          %dma_start3A_379 = arith.constant 0 : i32
          %dma_start3A_380 = tpu.memref_slice %arg8[%scan3A_333, %dma_start3A_379] : memref<40x128xi32, #tpu.memory_space<vmem>> -> memref<1x128xi32, #tpu.memory_space<vmem>>
          %dma_start3A_381 = tpu.memref_squeeze %dma_start3A_380 : memref<1x128xi32, #tpu.memory_space<vmem>> -> memref<128xi32, #tpu.memory_space<vmem>>
          %dma_start3A_382 = arith.constant 0 : i32
          %dma_start3A_383 = tpu.memref_slice %arg14[%dma_start3A_382] : memref<10240xf32, #tpu.memory_space<vmem_shared>> -> memref<10240xf32, #tpu.memory_space<vmem_shared>>
          tpu.enqueue_indirect_dma source(%arg11 : memref<128xf32, #tpu.memory_space<vmem>>) target(%dma_start3A_383 : memref<10240xf32, #tpu.memory_space<vmem_shared>>) offsets(%dma_start3A_381 : memref<128xi32, #tpu.memory_space<vmem>>) semaphore(%run_scoped3A : memref<!tpu.dma_semaphore, #tpu.memory_space<semaphore_mem>>) {add = true}
          %dma_wait3A_384 = arith.constant 0 : i32
          %dma_wait3A_385 = tpu.memref_slice %arg8[%scan3A_333, %dma_wait3A_384] : memref<40x128xi32, #tpu.memory_space<vmem>> -> memref<1x128xi32, #tpu.memory_space<vmem>>
          %dma_wait3A_386 = tpu.memref_squeeze %dma_wait3A_385 : memref<1x128xi32, #tpu.memory_space<vmem>> -> memref<128xi32, #tpu.memory_space<vmem>>
          %dma_wait3A_387 = arith.constant 0 : i32
          %dma_wait3A_388 = tpu.memref_slice %arg14[%dma_wait3A_387] : memref<10240xf32, #tpu.memory_space<vmem_shared>> -> memref<10240xf32, #tpu.memory_space<vmem_shared>>
          tpu.wait_indirect_dma semaphore(%run_scoped3A : memref<!tpu.dma_semaphore, #tpu.memory_space<semaphore_mem>>) src(%arg11 : memref<128xf32, #tpu.memory_space<vmem>>) dst(%dma_wait3A_388 : memref<10240xf32, #tpu.memory_space<vmem_shared>>)
          tpu.yield
        }) : () -> ()
      } else {
      }
      %jit3A_346 = arith.constant 2 : i32
      %eq3A_347 = arith.constant 0 : i32
      %eq3A_348 = arith.cmpi eq, %jit3A_346, %eq3A_347 : i32
      %jit3A_349 = arith.constant 1 : i32
      %select_n3A_350 = arith.select %eq3A_348, %jit3A_349, %jit3A_346 : i32
      %rem3A_351 = arith.remsi %scan3A_333, %select_n3A_350 : i32
      %ne3A_352 = arith.constant 0 : i32
      %ne3A_353 = arith.cmpi ne, %rem3A_351, %ne3A_352 : i32
      %lt3A_354 = arith.constant 0 : i32
      %lt3A_355 = arith.cmpi slt, %rem3A_351, %lt3A_354 : i32
      %lt3A_356 = arith.constant 0 : i32
      %lt3A_357 = arith.cmpi slt, %select_n3A_350, %lt3A_356 : i32
      %ne3A_358 = arith.xori %lt3A_355, %lt3A_357 : i1
      %and3A_359 = arith.andi %ne3A_358, %ne3A_353 : i1
      %add3A_360 = arith.addi %rem3A_351, %select_n3A_350 : i32
      %select_n3A_361 = arith.select %and3A_359, %add3A_360, %rem3A_351 : i32
      %eq3A_362 = arith.constant 1 : i32
      %eq3A_363 = arith.cmpi eq, %select_n3A_361, %eq3A_362 : i32
      %convert_element_type3A_364 = arith.extui %eq3A_363 : i1 to i32
      %cond3A_365 = arith.constant 0 : i32
      %cond3A_366 = arith.cmpi ne, %convert_element_type3A_364, %cond3A_365 : i32
      scf.if %cond3A_366 {
        %add3A_367 = arith.constant 1 : i32
        %add3A_368 = arith.addi %scan3A_333, %add3A_367 : i32
        %lt3A_369 = arith.constant 40 : i32
        %lt3A_370 = arith.cmpi slt, %add3A_368, %lt3A_369 : i32
        %convert_element_type3A_371 = arith.extui %lt3A_370 : i1 to i32
        %cond3A_372 = arith.constant 0 : i32
        %cond3A_373 = arith.cmpi ne, %convert_element_type3A_371, %cond3A_372 : i32
        scf.if %cond3A_373 {
          %add3A_379 = arith.constant 1 : i32
          %add3A_380 = arith.addi %scan3A_333, %add3A_379 : i32
          %dma_start3A_381 = arith.constant 0 : i32
          %dma_start3A_382 = tpu.memref_slice %arg7[%add3A_380, %dma_start3A_381] : memref<40x128xi32, #tpu.memory_space<vmem>> -> memref<1x128xi32, #tpu.memory_space<vmem>>
          %dma_start3A_383 = tpu.memref_squeeze %dma_start3A_382 : memref<1x128xi32, #tpu.memory_space<vmem>> -> memref<128xi32, #tpu.memory_space<vmem>>
          %dma_start3A_384 = arith.constant 0 : i32
          %dma_start3A_385 = arith.constant 0 : i32
          %dma_start3A_386 = tpu.memref_slice %arg4[%dma_start3A_384, %dma_start3A_385] : memref<10000x128xf32, #tpu.memory_space<hbm>> -> memref<10000x128xf32, #tpu.memory_space<hbm>>
          tpu.enqueue_indirect_dma source(%dma_start3A_386 : memref<10000x128xf32, #tpu.memory_space<hbm>>) target(%arg9 : memref<128x128xf32, #tpu.memory_space<vmem>>) offsets(%dma_start3A_383 : memref<128xi32, #tpu.memory_space<vmem>>) semaphore(%arg15 : memref<!tpu.dma_semaphore, #tpu.memory_space<semaphore_mem>>)
        } else {
        }
        %dma_wait3A = arith.constant 0 : i32
        %dma_wait3A_374 = tpu.memref_slice %arg7[%scan3A_333, %dma_wait3A] : memref<40x128xi32, #tpu.memory_space<vmem>> -> memref<1x128xi32, #tpu.memory_space<vmem>>
        %dma_wait3A_375 = tpu.memref_squeeze %dma_wait3A_374 : memref<1x128xi32, #tpu.memory_space<vmem>> -> memref<128xi32, #tpu.memory_space<vmem>>
        %dma_wait3A_376 = arith.constant 0 : i32
        %dma_wait3A_377 = arith.constant 0 : i32
        %dma_wait3A_378 = tpu.memref_slice %arg4[%dma_wait3A_376, %dma_wait3A_377] : memref<10000x128xf32, #tpu.memory_space<hbm>> -> memref<10000x128xf32, #tpu.memory_space<hbm>>
        tpu.wait_indirect_dma semaphore(%arg16 : memref<!tpu.dma_semaphore, #tpu.memory_space<semaphore_mem>>) src(%dma_wait3A_378 : memref<10000x128xf32, #tpu.memory_space<hbm>>) dst(%arg10 : memref<128x128xf32, #tpu.memory_space<vmem>>)
        "tpu.region"() ({
          %run_scoped3A = tpu.sem_alloc : memref<!tpu.dma_semaphore, #tpu.memory_space<semaphore_mem>>
          %dma_start3A_379 = arith.constant 0 : i32
          %dma_start3A_380 = tpu.memref_slice %arg8[%scan3A_333, %dma_start3A_379] : memref<40x128xi32, #tpu.memory_space<vmem>> -> memref<1x128xi32, #tpu.memory_space<vmem>>
          %dma_start3A_381 = tpu.memref_squeeze %dma_start3A_380 : memref<1x128xi32, #tpu.memory_space<vmem>> -> memref<128xi32, #tpu.memory_space<vmem>>
          %dma_start3A_382 = arith.constant 0 : i32
          %dma_start3A_383 = arith.constant 0 : i32
          %dma_start3A_384 = tpu.memref_slice %arg13[%dma_start3A_382, %dma_start3A_383] : memref<10240x128xf32, #tpu.memory_space<vmem_shared>> -> memref<10240x128xf32, #tpu.memory_space<vmem_shared>>
          tpu.enqueue_indirect_dma source(%arg10 : memref<128x128xf32, #tpu.memory_space<vmem>>) target(%dma_start3A_384 : memref<10240x128xf32, #tpu.memory_space<vmem_shared>>) offsets(%dma_start3A_381 : memref<128xi32, #tpu.memory_space<vmem>>) semaphore(%run_scoped3A : memref<!tpu.dma_semaphore, #tpu.memory_space<semaphore_mem>>) {add = true}
          %dma_wait3A_385 = arith.constant 0 : i32
          %dma_wait3A_386 = tpu.memref_slice %arg8[%scan3A_333, %dma_wait3A_385] : memref<40x128xi32, #tpu.memory_space<vmem>> -> memref<1x128xi32, #tpu.memory_space<vmem>>
          %dma_wait3A_387 = tpu.memref_squeeze %dma_wait3A_386 : memref<1x128xi32, #tpu.memory_space<vmem>> -> memref<128xi32, #tpu.memory_space<vmem>>
          %dma_wait3A_388 = arith.constant 0 : i32
          %dma_wait3A_389 = arith.constant 0 : i32
          %dma_wait3A_390 = tpu.memref_slice %arg13[%dma_wait3A_388, %dma_wait3A_389] : memref<10240x128xf32, #tpu.memory_space<vmem_shared>> -> memref<10240x128xf32, #tpu.memory_space<vmem_shared>>
          tpu.wait_indirect_dma semaphore(%run_scoped3A : memref<!tpu.dma_semaphore, #tpu.memory_space<semaphore_mem>>) src(%arg10 : memref<128x128xf32, #tpu.memory_space<vmem>>) dst(%dma_wait3A_390 : memref<10240x128xf32, #tpu.memory_space<vmem_shared>>)
          tpu.yield
        }) : () -> ()
        "tpu.region"() ({
          %run_scoped3A = tpu.sem_alloc : memref<!tpu.dma_semaphore, #tpu.memory_space<semaphore_mem>>
          %dma_start3A_379 = arith.constant 0 : i32
          %dma_start3A_380 = tpu.memref_slice %arg8[%scan3A_333, %dma_start3A_379] : memref<40x128xi32, #tpu.memory_space<vmem>> -> memref<1x128xi32, #tpu.memory_space<vmem>>
          %dma_start3A_381 = tpu.memref_squeeze %dma_start3A_380 : memref<1x128xi32, #tpu.memory_space<vmem>> -> memref<128xi32, #tpu.memory_space<vmem>>
          %dma_start3A_382 = arith.constant 0 : i32
          %dma_start3A_383 = tpu.memref_slice %arg14[%dma_start3A_382] : memref<10240xf32, #tpu.memory_space<vmem_shared>> -> memref<10240xf32, #tpu.memory_space<vmem_shared>>
          tpu.enqueue_indirect_dma source(%arg11 : memref<128xf32, #tpu.memory_space<vmem>>) target(%dma_start3A_383 : memref<10240xf32, #tpu.memory_space<vmem_shared>>) offsets(%dma_start3A_381 : memref<128xi32, #tpu.memory_space<vmem>>) semaphore(%run_scoped3A : memref<!tpu.dma_semaphore, #tpu.memory_space<semaphore_mem>>) {add = true}
          %dma_wait3A_384 = arith.constant 0 : i32
          %dma_wait3A_385 = tpu.memref_slice %arg8[%scan3A_333, %dma_wait3A_384] : memref<40x128xi32, #tpu.memory_space<vmem>> -> memref<1x128xi32, #tpu.memory_space<vmem>>
          %dma_wait3A_386 = tpu.memref_squeeze %dma_wait3A_385 : memref<1x128xi32, #tpu.memory_space<vmem>> -> memref<128xi32, #tpu.memory_space<vmem>>
          %dma_wait3A_387 = arith.constant 0 : i32
          %dma_wait3A_388 = tpu.memref_slice %arg14[%dma_wait3A_387] : memref<10240xf32, #tpu.memory_space<vmem_shared>> -> memref<10240xf32, #tpu.memory_space<vmem_shared>>
          tpu.wait_indirect_dma semaphore(%run_scoped3A : memref<!tpu.dma_semaphore, #tpu.memory_space<semaphore_mem>>) src(%arg11 : memref<128xf32, #tpu.memory_space<vmem>>) dst(%dma_wait3A_388 : memref<10240xf32, #tpu.memory_space<vmem_shared>>)
          tpu.yield
        }) : () -> ()
      } else {
      }
    }
    %scan3A_315 = arith.constant 40 : i32
    "tpu.region"() ({
      %run_scoped3A = tpu.sem_alloc : memref<!tpu.dma_semaphore, #tpu.memory_space<semaphore_mem>>
      %dma_start3A_333 = arith.constant 0 : i32
      %dma_start3A_334 = arith.constant 0 : i32
      %dma_start3A_335 = tpu.memref_slice %arg7[%dma_start3A_333, %dma_start3A_334] : memref<40x128xi32, #tpu.memory_space<vmem>> -> memref<39x128xi32, #tpu.memory_space<vmem>>
      %dma_start3A_336 = arith.constant 40 : i32
      %dma_start3A_337 = arith.constant 0 : i32
      %dma_start3A_338 = tpu.memref_slice %arg2[%add3A, %dma_start3A_336, %dma_start3A_337] : memref<32x79x128xi32, #tpu.memory_space<hbm>> -> memref<1x39x128xi32, #tpu.memory_space<hbm>>
      %dma_start3A_339 = tpu.memref_squeeze %dma_start3A_338 : memref<1x39x128xi32, #tpu.memory_space<hbm>> -> memref<39x128xi32, #tpu.memory_space<hbm>>
      %dma_start3A_340 = arith.constant 0 : i32
      %dma_start3A_341 = arith.constant 0 : i32
      %dma_start3A_342 = tpu.memref_slice %arg7[%dma_start3A_340, %dma_start3A_341] : memref<40x128xi32, #tpu.memory_space<vmem>> -> memref<39x128xi32, #tpu.memory_space<vmem>>
      %dma_start3A_343 = arith.constant 40 : i32
      %dma_start3A_344 = arith.constant 0 : i32
      %dma_start3A_345 = tpu.memref_slice %arg2[%add3A, %dma_start3A_343, %dma_start3A_344] : memref<32x79x128xi32, #tpu.memory_space<hbm>> -> memref<1x39x128xi32, #tpu.memory_space<hbm>>
      %dma_start3A_346 = tpu.memref_squeeze %dma_start3A_345 : memref<1x39x128xi32, #tpu.memory_space<hbm>> -> memref<39x128xi32, #tpu.memory_space<hbm>>
      tpu.enqueue_dma source(%dma_start3A_346 : memref<39x128xi32, #tpu.memory_space<hbm>>) target(%dma_start3A_342 : memref<39x128xi32, #tpu.memory_space<vmem>>) target_semaphore(%run_scoped3A : memref<!tpu.dma_semaphore, #tpu.memory_space<semaphore_mem>>)
      %dma_wait3A = arith.constant 0 : i32
      %dma_wait3A_347 = arith.constant 0 : i32
      %dma_wait3A_348 = tpu.memref_slice %arg7[%dma_wait3A, %dma_wait3A_347] : memref<40x128xi32, #tpu.memory_space<vmem>> -> memref<39x128xi32, #tpu.memory_space<vmem>>
      %dma_wait3A_349 = arith.constant 40 : i32
      %dma_wait3A_350 = arith.constant 0 : i32
      %dma_wait3A_351 = tpu.memref_slice %arg2[%add3A, %dma_wait3A_349, %dma_wait3A_350] : memref<32x79x128xi32, #tpu.memory_space<hbm>> -> memref<1x39x128xi32, #tpu.memory_space<hbm>>
      %dma_wait3A_352 = tpu.memref_squeeze %dma_wait3A_351 : memref<1x39x128xi32, #tpu.memory_space<hbm>> -> memref<39x128xi32, #tpu.memory_space<hbm>>
      %dma_wait3A_353 = arith.constant 0 : i32
      %dma_wait3A_354 = arith.constant 0 : i32
      %dma_wait3A_355 = tpu.memref_slice %arg7[%dma_wait3A_353, %dma_wait3A_354] : memref<40x128xi32, #tpu.memory_space<vmem>> -> memref<39x128xi32, #tpu.memory_space<vmem>>
      %dma_wait3A_356 = arith.constant 40 : i32
      %dma_wait3A_357 = arith.constant 0 : i32
      %dma_wait3A_358 = tpu.memref_slice %arg2[%add3A, %dma_wait3A_356, %dma_wait3A_357] : memref<32x79x128xi32, #tpu.memory_space<hbm>> -> memref<1x39x128xi32, #tpu.memory_space<hbm>>
      %dma_wait3A_359 = tpu.memref_squeeze %dma_wait3A_358 : memref<1x39x128xi32, #tpu.memory_space<hbm>> -> memref<39x128xi32, #tpu.memory_space<hbm>>
      tpu.wait_dma2 semaphore(%run_scoped3A : memref<!tpu.dma_semaphore, #tpu.memory_space<semaphore_mem>>) src(%dma_wait3A_359 : memref<39x128xi32, #tpu.memory_space<hbm>>) dst(%dma_wait3A_355 : memref<39x128xi32, #tpu.memory_space<vmem>>)
      tpu.yield
    }) : () -> ()
    "tpu.region"() ({
      %run_scoped3A = tpu.sem_alloc : memref<!tpu.dma_semaphore, #tpu.memory_space<semaphore_mem>>
      %dma_start3A_333 = arith.constant 0 : i32
      %dma_start3A_334 = arith.constant 0 : i32
      %dma_start3A_335 = tpu.memref_slice %arg8[%dma_start3A_333, %dma_start3A_334] : memref<40x128xi32, #tpu.memory_space<vmem>> -> memref<39x128xi32, #tpu.memory_space<vmem>>
      %dma_start3A_336 = arith.constant 40 : i32
      %dma_start3A_337 = arith.constant 0 : i32
      %dma_start3A_338 = tpu.memref_slice %arg3[%add3A, %dma_start3A_336, %dma_start3A_337] : memref<32x79x128xi32, #tpu.memory_space<hbm>> -> memref<1x39x128xi32, #tpu.memory_space<hbm>>
      %dma_start3A_339 = tpu.memref_squeeze %dma_start3A_338 : memref<1x39x128xi32, #tpu.memory_space<hbm>> -> memref<39x128xi32, #tpu.memory_space<hbm>>
      %dma_start3A_340 = arith.constant 0 : i32
      %dma_start3A_341 = arith.constant 0 : i32
      %dma_start3A_342 = tpu.memref_slice %arg8[%dma_start3A_340, %dma_start3A_341] : memref<40x128xi32, #tpu.memory_space<vmem>> -> memref<39x128xi32, #tpu.memory_space<vmem>>
      %dma_start3A_343 = arith.constant 40 : i32
      %dma_start3A_344 = arith.constant 0 : i32
      %dma_start3A_345 = tpu.memref_slice %arg3[%add3A, %dma_start3A_343, %dma_start3A_344] : memref<32x79x128xi32, #tpu.memory_space<hbm>> -> memref<1x39x128xi32, #tpu.memory_space<hbm>>
      %dma_start3A_346 = tpu.memref_squeeze %dma_start3A_345 : memref<1x39x128xi32, #tpu.memory_space<hbm>> -> memref<39x128xi32, #tpu.memory_space<hbm>>
      tpu.enqueue_dma source(%dma_start3A_346 : memref<39x128xi32, #tpu.memory_space<hbm>>) target(%dma_start3A_342 : memref<39x128xi32, #tpu.memory_space<vmem>>) target_semaphore(%run_scoped3A : memref<!tpu.dma_semaphore, #tpu.memory_space<semaphore_mem>>)
      %dma_wait3A = arith.constant 0 : i32
      %dma_wait3A_347 = arith.constant 0 : i32
      %dma_wait3A_348 = tpu.memref_slice %arg8[%dma_wait3A, %dma_wait3A_347] : memref<40x128xi32, #tpu.memory_space<vmem>> -> memref<39x128xi32, #tpu.memory_space<vmem>>
      %dma_wait3A_349 = arith.constant 40 : i32
      %dma_wait3A_350 = arith.constant 0 : i32
      %dma_wait3A_351 = tpu.memref_slice %arg3[%add3A, %dma_wait3A_349, %dma_wait3A_350] : memref<32x79x128xi32, #tpu.memory_space<hbm>> -> memref<1x39x128xi32, #tpu.memory_space<hbm>>
      %dma_wait3A_352 = tpu.memref_squeeze %dma_wait3A_351 : memref<1x39x128xi32, #tpu.memory_space<hbm>> -> memref<39x128xi32, #tpu.memory_space<hbm>>
      %dma_wait3A_353 = arith.constant 0 : i32
      %dma_wait3A_354 = arith.constant 0 : i32
      %dma_wait3A_355 = tpu.memref_slice %arg8[%dma_wait3A_353, %dma_wait3A_354] : memref<40x128xi32, #tpu.memory_space<vmem>> -> memref<39x128xi32, #tpu.memory_space<vmem>>
      %dma_wait3A_356 = arith.constant 40 : i32
      %dma_wait3A_357 = arith.constant 0 : i32
      %dma_wait3A_358 = tpu.memref_slice %arg3[%add3A, %dma_wait3A_356, %dma_wait3A_357] : memref<32x79x128xi32, #tpu.memory_space<hbm>> -> memref<1x39x128xi32, #tpu.memory_space<hbm>>
      %dma_wait3A_359 = tpu.memref_squeeze %dma_wait3A_358 : memref<1x39x128xi32, #tpu.memory_space<hbm>> -> memref<39x128xi32, #tpu.memory_space<hbm>>
      tpu.wait_dma2 semaphore(%run_scoped3A : memref<!tpu.dma_semaphore, #tpu.memory_space<semaphore_mem>>) src(%dma_wait3A_359 : memref<39x128xi32, #tpu.memory_space<hbm>>) dst(%dma_wait3A_355 : memref<39x128xi32, #tpu.memory_space<vmem>>)
      tpu.yield
    }) : () -> ()
    %dma_start3A_316 = arith.constant 0 : i32
    %dma_start3A_317 = arith.constant 0 : i32
    %dma_start3A_318 = tpu.memref_slice %arg7[%dma_start3A_316, %dma_start3A_317] : memref<40x128xi32, #tpu.memory_space<vmem>> -> memref<1x128xi32, #tpu.memory_space<vmem>>
    %dma_start3A_319 = tpu.memref_squeeze %dma_start3A_318 : memref<1x128xi32, #tpu.memory_space<vmem>> -> memref<128xi32, #tpu.memory_space<vmem>>
    %dma_start3A_320 = arith.constant 0 : i32
    %dma_start3A_321 = arith.constant 0 : i32
    %dma_start3A_322 = tpu.memref_slice %arg4[%dma_start3A_320, %dma_start3A_321] : memref<10000x128xf32, #tpu.memory_space<hbm>> -> memref<10000x128xf32, #tpu.memory_space<hbm>>
    tpu.enqueue_indirect_dma source(%dma_start3A_322 : memref<10000x128xf32, #tpu.memory_space<hbm>>) target(%arg9 : memref<128x128xf32, #tpu.memory_space<vmem>>) offsets(%dma_start3A_319 : memref<128xi32, #tpu.memory_space<vmem>>) semaphore(%arg15 : memref<!tpu.dma_semaphore, #tpu.memory_space<semaphore_mem>>)
    %scan3A_323 = arith.constant 0 : i32
    %scan3A_324 = arith.constant 0 : i32
    %scan3A_325 = arith.constant 39 : i32
    %scan3A_326 = arith.addi %scan3A_324, %scan3A_325 : i32
    %scan3A_327 = arith.constant 1 : i32
    scf.for %scan3A_333 = %scan3A_324 to %scan3A_326 step %scan3A_327  : i32 {
      %jit3A = arith.constant 2 : i32
      %eq3A = arith.constant 0 : i32
      %eq3A_334 = arith.cmpi eq, %jit3A, %eq3A : i32
      %jit3A_335 = arith.constant 1 : i32
      %select_n3A = arith.select %eq3A_334, %jit3A_335, %jit3A : i32
      %rem3A = arith.remsi %scan3A_333, %select_n3A : i32
      %ne3A = arith.constant 0 : i32
      %ne3A_336 = arith.cmpi ne, %rem3A, %ne3A : i32
      %lt3A = arith.constant 0 : i32
      %lt3A_337 = arith.cmpi slt, %rem3A, %lt3A : i32
      %lt3A_338 = arith.constant 0 : i32
      %lt3A_339 = arith.cmpi slt, %select_n3A, %lt3A_338 : i32
      %ne3A_340 = arith.xori %lt3A_337, %lt3A_339 : i1
      %and3A = arith.andi %ne3A_340, %ne3A_336 : i1
      %add3A_341 = arith.addi %rem3A, %select_n3A : i32
      %select_n3A_342 = arith.select %and3A, %add3A_341, %rem3A : i32
      %eq3A_343 = arith.constant 0 : i32
      %eq3A_344 = arith.cmpi eq, %select_n3A_342, %eq3A_343 : i32
      %convert_element_type3A = arith.extui %eq3A_344 : i1 to i32
      %cond3A = arith.constant 0 : i32
      %cond3A_345 = arith.cmpi ne, %convert_element_type3A, %cond3A : i32
      scf.if %cond3A_345 {
        %add3A_367 = arith.constant 1 : i32
        %add3A_368 = arith.addi %scan3A_333, %add3A_367 : i32
        %lt3A_369 = arith.constant 39 : i32
        %lt3A_370 = arith.cmpi slt, %add3A_368, %lt3A_369 : i32
        %convert_element_type3A_371 = arith.extui %lt3A_370 : i1 to i32
        %cond3A_372 = arith.constant 0 : i32
        %cond3A_373 = arith.cmpi ne, %convert_element_type3A_371, %cond3A_372 : i32
        scf.if %cond3A_373 {
          %add3A_379 = arith.constant 1 : i32
          %add3A_380 = arith.addi %scan3A_333, %add3A_379 : i32
          %dma_start3A_381 = arith.constant 0 : i32
          %dma_start3A_382 = tpu.memref_slice %arg7[%add3A_380, %dma_start3A_381] : memref<40x128xi32, #tpu.memory_space<vmem>> -> memref<1x128xi32, #tpu.memory_space<vmem>>
          %dma_start3A_383 = tpu.memref_squeeze %dma_start3A_382 : memref<1x128xi32, #tpu.memory_space<vmem>> -> memref<128xi32, #tpu.memory_space<vmem>>
          %dma_start3A_384 = arith.constant 0 : i32
          %dma_start3A_385 = arith.constant 0 : i32
          %dma_start3A_386 = tpu.memref_slice %arg4[%dma_start3A_384, %dma_start3A_385] : memref<10000x128xf32, #tpu.memory_space<hbm>> -> memref<10000x128xf32, #tpu.memory_space<hbm>>
          tpu.enqueue_indirect_dma source(%dma_start3A_386 : memref<10000x128xf32, #tpu.memory_space<hbm>>) target(%arg10 : memref<128x128xf32, #tpu.memory_space<vmem>>) offsets(%dma_start3A_383 : memref<128xi32, #tpu.memory_space<vmem>>) semaphore(%arg16 : memref<!tpu.dma_semaphore, #tpu.memory_space<semaphore_mem>>)
        } else {
        }
        %dma_wait3A = arith.constant 0 : i32
        %dma_wait3A_374 = tpu.memref_slice %arg7[%scan3A_333, %dma_wait3A] : memref<40x128xi32, #tpu.memory_space<vmem>> -> memref<1x128xi32, #tpu.memory_space<vmem>>
        %dma_wait3A_375 = tpu.memref_squeeze %dma_wait3A_374 : memref<1x128xi32, #tpu.memory_space<vmem>> -> memref<128xi32, #tpu.memory_space<vmem>>
        %dma_wait3A_376 = arith.constant 0 : i32
        %dma_wait3A_377 = arith.constant 0 : i32
        %dma_wait3A_378 = tpu.memref_slice %arg4[%dma_wait3A_376, %dma_wait3A_377] : memref<10000x128xf32, #tpu.memory_space<hbm>> -> memref<10000x128xf32, #tpu.memory_space<hbm>>
        tpu.wait_indirect_dma semaphore(%arg15 : memref<!tpu.dma_semaphore, #tpu.memory_space<semaphore_mem>>) src(%dma_wait3A_378 : memref<10000x128xf32, #tpu.memory_space<hbm>>) dst(%arg9 : memref<128x128xf32, #tpu.memory_space<vmem>>)
        "tpu.region"() ({
          %run_scoped3A = tpu.sem_alloc : memref<!tpu.dma_semaphore, #tpu.memory_space<semaphore_mem>>
          %dma_start3A_379 = arith.constant 0 : i32
          %dma_start3A_380 = tpu.memref_slice %arg8[%scan3A_333, %dma_start3A_379] : memref<40x128xi32, #tpu.memory_space<vmem>> -> memref<1x128xi32, #tpu.memory_space<vmem>>
          %dma_start3A_381 = tpu.memref_squeeze %dma_start3A_380 : memref<1x128xi32, #tpu.memory_space<vmem>> -> memref<128xi32, #tpu.memory_space<vmem>>
          %dma_start3A_382 = arith.constant 0 : i32
          %dma_start3A_383 = arith.constant 0 : i32
          %dma_start3A_384 = tpu.memref_slice %arg13[%dma_start3A_382, %dma_start3A_383] : memref<10240x128xf32, #tpu.memory_space<vmem_shared>> -> memref<10240x128xf32, #tpu.memory_space<vmem_shared>>
          tpu.enqueue_indirect_dma source(%arg9 : memref<128x128xf32, #tpu.memory_space<vmem>>) target(%dma_start3A_384 : memref<10240x128xf32, #tpu.memory_space<vmem_shared>>) offsets(%dma_start3A_381 : memref<128xi32, #tpu.memory_space<vmem>>) semaphore(%run_scoped3A : memref<!tpu.dma_semaphore, #tpu.memory_space<semaphore_mem>>) {add = true}
          %dma_wait3A_385 = arith.constant 0 : i32
          %dma_wait3A_386 = tpu.memref_slice %arg8[%scan3A_333, %dma_wait3A_385] : memref<40x128xi32, #tpu.memory_space<vmem>> -> memref<1x128xi32, #tpu.memory_space<vmem>>
          %dma_wait3A_387 = tpu.memref_squeeze %dma_wait3A_386 : memref<1x128xi32, #tpu.memory_space<vmem>> -> memref<128xi32, #tpu.memory_space<vmem>>
          %dma_wait3A_388 = arith.constant 0 : i32
          %dma_wait3A_389 = arith.constant 0 : i32
          %dma_wait3A_390 = tpu.memref_slice %arg13[%dma_wait3A_388, %dma_wait3A_389] : memref<10240x128xf32, #tpu.memory_space<vmem_shared>> -> memref<10240x128xf32, #tpu.memory_space<vmem_shared>>
          tpu.wait_indirect_dma semaphore(%run_scoped3A : memref<!tpu.dma_semaphore, #tpu.memory_space<semaphore_mem>>) src(%arg9 : memref<128x128xf32, #tpu.memory_space<vmem>>) dst(%dma_wait3A_390 : memref<10240x128xf32, #tpu.memory_space<vmem_shared>>)
          tpu.yield
        }) : () -> ()
        "tpu.region"() ({
          %run_scoped3A = tpu.sem_alloc : memref<!tpu.dma_semaphore, #tpu.memory_space<semaphore_mem>>
          %dma_start3A_379 = arith.constant 0 : i32
          %dma_start3A_380 = tpu.memref_slice %arg8[%scan3A_333, %dma_start3A_379] : memref<40x128xi32, #tpu.memory_space<vmem>> -> memref<1x128xi32, #tpu.memory_space<vmem>>
          %dma_start3A_381 = tpu.memref_squeeze %dma_start3A_380 : memref<1x128xi32, #tpu.memory_space<vmem>> -> memref<128xi32, #tpu.memory_space<vmem>>
          %dma_start3A_382 = arith.constant 0 : i32
          %dma_start3A_383 = tpu.memref_slice %arg14[%dma_start3A_382] : memref<10240xf32, #tpu.memory_space<vmem_shared>> -> memref<10240xf32, #tpu.memory_space<vmem_shared>>
          tpu.enqueue_indirect_dma source(%arg11 : memref<128xf32, #tpu.memory_space<vmem>>) target(%dma_start3A_383 : memref<10240xf32, #tpu.memory_space<vmem_shared>>) offsets(%dma_start3A_381 : memref<128xi32, #tpu.memory_space<vmem>>) semaphore(%run_scoped3A : memref<!tpu.dma_semaphore, #tpu.memory_space<semaphore_mem>>) {add = true}
          %dma_wait3A_384 = arith.constant 0 : i32
          %dma_wait3A_385 = tpu.memref_slice %arg8[%scan3A_333, %dma_wait3A_384] : memref<40x128xi32, #tpu.memory_space<vmem>> -> memref<1x128xi32, #tpu.memory_space<vmem>>
          %dma_wait3A_386 = tpu.memref_squeeze %dma_wait3A_385 : memref<1x128xi32, #tpu.memory_space<vmem>> -> memref<128xi32, #tpu.memory_space<vmem>>
          %dma_wait3A_387 = arith.constant 0 : i32
          %dma_wait3A_388 = tpu.memref_slice %arg14[%dma_wait3A_387] : memref<10240xf32, #tpu.memory_space<vmem_shared>> -> memref<10240xf32, #tpu.memory_space<vmem_shared>>
          tpu.wait_indirect_dma semaphore(%run_scoped3A : memref<!tpu.dma_semaphore, #tpu.memory_space<semaphore_mem>>) src(%arg11 : memref<128xf32, #tpu.memory_space<vmem>>) dst(%dma_wait3A_388 : memref<10240xf32, #tpu.memory_space<vmem_shared>>)
          tpu.yield
        }) : () -> ()
      } else {
      }
      %jit3A_346 = arith.constant 2 : i32
      %eq3A_347 = arith.constant 0 : i32
      %eq3A_348 = arith.cmpi eq, %jit3A_346, %eq3A_347 : i32
      %jit3A_349 = arith.constant 1 : i32
      %select_n3A_350 = arith.select %eq3A_348, %jit3A_349, %jit3A_346 : i32
      %rem3A_351 = arith.remsi %scan3A_333, %select_n3A_350 : i32
      %ne3A_352 = arith.constant 0 : i32
      %ne3A_353 = arith.cmpi ne, %rem3A_351, %ne3A_352 : i32
      %lt3A_354 = arith.constant 0 : i32
      %lt3A_355 = arith.cmpi slt, %rem3A_351, %lt3A_354 : i32
      %lt3A_356 = arith.constant 0 : i32
      %lt3A_357 = arith.cmpi slt, %select_n3A_350, %lt3A_356 : i32
      %ne3A_358 = arith.xori %lt3A_355, %lt3A_357 : i1
      %and3A_359 = arith.andi %ne3A_358, %ne3A_353 : i1
      %add3A_360 = arith.addi %rem3A_351, %select_n3A_350 : i32
      %select_n3A_361 = arith.select %and3A_359, %add3A_360, %rem3A_351 : i32
      %eq3A_362 = arith.constant 1 : i32
      %eq3A_363 = arith.cmpi eq, %select_n3A_361, %eq3A_362 : i32
      %convert_element_type3A_364 = arith.extui %eq3A_363 : i1 to i32
      %cond3A_365 = arith.constant 0 : i32
      %cond3A_366 = arith.cmpi ne, %convert_element_type3A_364, %cond3A_365 : i32
      scf.if %cond3A_366 {
        %add3A_367 = arith.constant 1 : i32
        %add3A_368 = arith.addi %scan3A_333, %add3A_367 : i32
        %lt3A_369 = arith.constant 39 : i32
        %lt3A_370 = arith.cmpi slt, %add3A_368, %lt3A_369 : i32
        %convert_element_type3A_371 = arith.extui %lt3A_370 : i1 to i32
        %cond3A_372 = arith.constant 0 : i32
        %cond3A_373 = arith.cmpi ne, %convert_element_type3A_371, %cond3A_372 : i32
        scf.if %cond3A_373 {
          %add3A_379 = arith.constant 1 : i32
          %add3A_380 = arith.addi %scan3A_333, %add3A_379 : i32
          %dma_start3A_381 = arith.constant 0 : i32
          %dma_start3A_382 = tpu.memref_slice %arg7[%add3A_380, %dma_start3A_381] : memref<40x128xi32, #tpu.memory_space<vmem>> -> memref<1x128xi32, #tpu.memory_space<vmem>>
          %dma_start3A_383 = tpu.memref_squeeze %dma_start3A_382 : memref<1x128xi32, #tpu.memory_space<vmem>> -> memref<128xi32, #tpu.memory_space<vmem>>
          %dma_start3A_384 = arith.constant 0 : i32
          %dma_start3A_385 = arith.constant 0 : i32
          %dma_start3A_386 = tpu.memref_slice %arg4[%dma_start3A_384, %dma_start3A_385] : memref<10000x128xf32, #tpu.memory_space<hbm>> -> memref<10000x128xf32, #tpu.memory_space<hbm>>
          tpu.enqueue_indirect_dma source(%dma_start3A_386 : memref<10000x128xf32, #tpu.memory_space<hbm>>) target(%arg9 : memref<128x128xf32, #tpu.memory_space<vmem>>) offsets(%dma_start3A_383 : memref<128xi32, #tpu.memory_space<vmem>>) semaphore(%arg15 : memref<!tpu.dma_semaphore, #tpu.memory_space<semaphore_mem>>)
        } else {
        }
        %dma_wait3A = arith.constant 0 : i32
        %dma_wait3A_374 = tpu.memref_slice %arg7[%scan3A_333, %dma_wait3A] : memref<40x128xi32, #tpu.memory_space<vmem>> -> memref<1x128xi32, #tpu.memory_space<vmem>>
        %dma_wait3A_375 = tpu.memref_squeeze %dma_wait3A_374 : memref<1x128xi32, #tpu.memory_space<vmem>> -> memref<128xi32, #tpu.memory_space<vmem>>
        %dma_wait3A_376 = arith.constant 0 : i32
        %dma_wait3A_377 = arith.constant 0 : i32
        %dma_wait3A_378 = tpu.memref_slice %arg4[%dma_wait3A_376, %dma_wait3A_377] : memref<10000x128xf32, #tpu.memory_space<hbm>> -> memref<10000x128xf32, #tpu.memory_space<hbm>>
        tpu.wait_indirect_dma semaphore(%arg16 : memref<!tpu.dma_semaphore, #tpu.memory_space<semaphore_mem>>) src(%dma_wait3A_378 : memref<10000x128xf32, #tpu.memory_space<hbm>>) dst(%arg10 : memref<128x128xf32, #tpu.memory_space<vmem>>)
        "tpu.region"() ({
          %run_scoped3A = tpu.sem_alloc : memref<!tpu.dma_semaphore, #tpu.memory_space<semaphore_mem>>
          %dma_start3A_379 = arith.constant 0 : i32
          %dma_start3A_380 = tpu.memref_slice %arg8[%scan3A_333, %dma_start3A_379] : memref<40x128xi32, #tpu.memory_space<vmem>> -> memref<1x128xi32, #tpu.memory_space<vmem>>
          %dma_start3A_381 = tpu.memref_squeeze %dma_start3A_380 : memref<1x128xi32, #tpu.memory_space<vmem>> -> memref<128xi32, #tpu.memory_space<vmem>>
          %dma_start3A_382 = arith.constant 0 : i32
          %dma_start3A_383 = arith.constant 0 : i32
          %dma_start3A_384 = tpu.memref_slice %arg13[%dma_start3A_382, %dma_start3A_383] : memref<10240x128xf32, #tpu.memory_space<vmem_shared>> -> memref<10240x128xf32, #tpu.memory_space<vmem_shared>>
          tpu.enqueue_indirect_dma source(%arg10 : memref<128x128xf32, #tpu.memory_space<vmem>>) target(%dma_start3A_384 : memref<10240x128xf32, #tpu.memory_space<vmem_shared>>) offsets(%dma_start3A_381 : memref<128xi32, #tpu.memory_space<vmem>>) semaphore(%run_scoped3A : memref<!tpu.dma_semaphore, #tpu.memory_space<semaphore_mem>>) {add = true}
          %dma_wait3A_385 = arith.constant 0 : i32
          %dma_wait3A_386 = tpu.memref_slice %arg8[%scan3A_333, %dma_wait3A_385] : memref<40x128xi32, #tpu.memory_space<vmem>> -> memref<1x128xi32, #tpu.memory_space<vmem>>
          %dma_wait3A_387 = tpu.memref_squeeze %dma_wait3A_386 : memref<1x128xi32, #tpu.memory_space<vmem>> -> memref<128xi32, #tpu.memory_space<vmem>>
          %dma_wait3A_388 = arith.constant 0 : i32
          %dma_wait3A_389 = arith.constant 0 : i32
          %dma_wait3A_390 = tpu.memref_slice %arg13[%dma_wait3A_388, %dma_wait3A_389] : memref<10240x128xf32, #tpu.memory_space<vmem_shared>> -> memref<10240x128xf32, #tpu.memory_space<vmem_shared>>
          tpu.wait_indirect_dma semaphore(%run_scoped3A : memref<!tpu.dma_semaphore, #tpu.memory_space<semaphore_mem>>) src(%arg10 : memref<128x128xf32, #tpu.memory_space<vmem>>) dst(%dma_wait3A_390 : memref<10240x128xf32, #tpu.memory_space<vmem_shared>>)
          tpu.yield
        }) : () -> ()
        "tpu.region"() ({
          %run_scoped3A = tpu.sem_alloc : memref<!tpu.dma_semaphore, #tpu.memory_space<semaphore_mem>>
          %dma_start3A_379 = arith.constant 0 : i32
          %dma_start3A_380 = tpu.memref_slice %arg8[%scan3A_333, %dma_start3A_379] : memref<40x128xi32, #tpu.memory_space<vmem>> -> memref<1x128xi32, #tpu.memory_space<vmem>>
          %dma_start3A_381 = tpu.memref_squeeze %dma_start3A_380 : memref<1x128xi32, #tpu.memory_space<vmem>> -> memref<128xi32, #tpu.memory_space<vmem>>
          %dma_start3A_382 = arith.constant 0 : i32
          %dma_start3A_383 = tpu.memref_slice %arg14[%dma_start3A_382] : memref<10240xf32, #tpu.memory_space<vmem_shared>> -> memref<10240xf32, #tpu.memory_space<vmem_shared>>
          tpu.enqueue_indirect_dma source(%arg11 : memref<128xf32, #tpu.memory_space<vmem>>) target(%dma_start3A_383 : memref<10240xf32, #tpu.memory_space<vmem_shared>>) offsets(%dma_start3A_381 : memref<128xi32, #tpu.memory_space<vmem>>) semaphore(%run_scoped3A : memref<!tpu.dma_semaphore, #tpu.memory_space<semaphore_mem>>) {add = true}
          %dma_wait3A_384 = arith.constant 0 : i32
          %dma_wait3A_385 = tpu.memref_slice %arg8[%scan3A_333, %dma_wait3A_384] : memref<40x128xi32, #tpu.memory_space<vmem>> -> memref<1x128xi32, #tpu.memory_space<vmem>>
          %dma_wait3A_386 = tpu.memref_squeeze %dma_wait3A_385 : memref<1x128xi32, #tpu.memory_space<vmem>> -> memref<128xi32, #tpu.memory_space<vmem>>
          %dma_wait3A_387 = arith.constant 0 : i32
          %dma_wait3A_388 = tpu.memref_slice %arg14[%dma_wait3A_387] : memref<10240xf32, #tpu.memory_space<vmem_shared>> -> memref<10240xf32, #tpu.memory_space<vmem_shared>>
          tpu.wait_indirect_dma semaphore(%run_scoped3A : memref<!tpu.dma_semaphore, #tpu.memory_space<semaphore_mem>>) src(%arg11 : memref<128xf32, #tpu.memory_space<vmem>>) dst(%dma_wait3A_388 : memref<10240xf32, #tpu.memory_space<vmem_shared>>)
          tpu.yield
        }) : () -> ()
      } else {
      }
    }
    %scan3A_328 = arith.constant 39 : i32
    %barrier3A_329 = arith.constant 0 : index
    tpu.barrier barrier_id(%barrier3A_329)
    "tpu.region"() ({
      %run_scoped3A = tpu.sem_alloc : memref<!tpu.dma_semaphore, #tpu.memory_space<semaphore_mem>>
      %dma_start3A_333 = arith.constant 0 : i32
      %dma_start3A_334 = tpu.memref_slice %arg5[%arg0, %mul3A_2, %dma_start3A_333] : memref<2x10240x128xf32, #tpu.memory_space<hbm>> -> memref<1x640x128xf32, #tpu.memory_space<hbm>>
      %dma_start3A_335 = tpu.memref_squeeze %dma_start3A_334 : memref<1x640x128xf32, #tpu.memory_space<hbm>> -> memref<640x128xf32, #tpu.memory_space<hbm>>
      %dma_start3A_336 = arith.constant 0 : i32
      %dma_start3A_337 = tpu.memref_slice %arg13[%mul3A_2, %dma_start3A_336] : memref<10240x128xf32, #tpu.memory_space<vmem_shared>> -> memref<640x128xf32, #tpu.memory_space<vmem_shared>>
      tpu.enqueue_dma source(%dma_start3A_337 : memref<640x128xf32, #tpu.memory_space<vmem_shared>>) target(%dma_start3A_335 : memref<640x128xf32, #tpu.memory_space<hbm>>) target_semaphore(%run_scoped3A : memref<!tpu.dma_semaphore, #tpu.memory_space<semaphore_mem>>)
      %dma_wait3A = arith.constant 0 : i32
      %dma_wait3A_338 = tpu.memref_slice %arg5[%arg0, %mul3A_2, %dma_wait3A] : memref<2x10240x128xf32, #tpu.memory_space<hbm>> -> memref<1x640x128xf32, #tpu.memory_space<hbm>>
      %dma_wait3A_339 = tpu.memref_squeeze %dma_wait3A_338 : memref<1x640x128xf32, #tpu.memory_space<hbm>> -> memref<640x128xf32, #tpu.memory_space<hbm>>
      %dma_wait3A_340 = arith.constant 0 : i32
      %dma_wait3A_341 = tpu.memref_slice %arg13[%mul3A_2, %dma_wait3A_340] : memref<10240x128xf32, #tpu.memory_space<vmem_shared>> -> memref<640x128xf32, #tpu.memory_space<vmem_shared>>
      tpu.wait_dma2 semaphore(%run_scoped3A : memref<!tpu.dma_semaphore, #tpu.memory_space<semaphore_mem>>) src(%dma_wait3A_341 : memref<640x128xf32, #tpu.memory_space<vmem_shared>>) dst(%dma_wait3A_339 : memref<640x128xf32, #tpu.memory_space<hbm>>)
      tpu.yield
    }) : () -> ()
    %mul3A_330 = arith.constant 10240 : i32
    %mul3A_331 = arith.muli %arg0, %mul3A_330 : i32
    %add3A_332 = arith.addi %mul3A_331, %mul3A_2 : i32
    "tpu.region"() ({
      %run_scoped3A = tpu.sem_alloc : memref<!tpu.dma_semaphore, #tpu.memory_space<semaphore_mem>>
      %dma_start3A_333 = tpu.memref_slice %arg6[%add3A_332] : memref<20480xf32, #tpu.memory_space<hbm>> -> memref<640xf32, #tpu.memory_space<hbm>>
      %dma_start3A_334 = tpu.memref_slice %arg14[%mul3A_2] : memref<10240xf32, #tpu.memory_space<vmem_shared>> -> memref<640xf32, #tpu.memory_space<vmem_shared>>
      tpu.enqueue_dma source(%dma_start3A_334 : memref<640xf32, #tpu.memory_space<vmem_shared>>) target(%dma_start3A_333 : memref<640xf32, #tpu.memory_space<hbm>>) target_semaphore(%run_scoped3A : memref<!tpu.dma_semaphore, #tpu.memory_space<semaphore_mem>>)
      %dma_wait3A = tpu.memref_slice %arg6[%add3A_332] : memref<20480xf32, #tpu.memory_space<hbm>> -> memref<640xf32, #tpu.memory_space<hbm>>
      %dma_wait3A_335 = tpu.memref_slice %arg14[%mul3A_2] : memref<10240xf32, #tpu.memory_space<vmem_shared>> -> memref<640xf32, #tpu.memory_space<vmem_shared>>
      tpu.wait_dma2 semaphore(%run_scoped3A : memref<!tpu.dma_semaphore, #tpu.memory_space<semaphore_mem>>) src(%dma_wait3A_335 : memref<640xf32, #tpu.memory_space<vmem_shared>>) dst(%dma_wait3A : memref<640xf32, #tpu.memory_space<hbm>>)
      tpu.yield
    }) : () -> ()
    return
  }
}

module attributes {stable_mosaic.version = 14 : i64} {
  func.func @_fuse_tc(%arg0: i32, %arg1: memref<1x1024x128xf32, #tpu.memory_space<vmem>>, %arg2: memref<1x1024x128xf32, #tpu.memory_space<vmem>>, %arg3: memref<1024x128xf32, #tpu.memory_space<vmem>>, %arg4: memref<1024x1xf32, #tpu.memory_space<vmem>>, %arg5: memref<1024x1xf32, #tpu.memory_space<vmem>>, %arg6: memref<128x16xf32, #tpu.memory_space<vmem>>, %arg7: memref<1x16xf32, #tpu.memory_space<vmem>>, %arg8: memref<1024x16xf32, #tpu.memory_space<vmem>>) attributes {dimension_semantics = [#tpu.dimension_semantics<arbitrary>], iteration_bounds = array<i64: 10>, scalar_prefetch = 0 : i64, scratch_operands = 0 : i64, tpu.core_type = #tpu.core_type<tc>, window_params = [{transform_indices = @transform_0, window_bounds = array<i64: 1, 1024, 128>}, {transform_indices = @transform_1, window_bounds = array<i64: 1, 1024, 128>}, {transform_indices = @transform_2, window_bounds = array<i64: 1024, 128>}, {transform_indices = @transform_3, window_bounds = array<i64: 1024, 1>}, {transform_indices = @transform_4, window_bounds = array<i64: 1024, 1>}, {pipeline_mode = #tpu.pipeline_mode<synchronous>, transform_indices = @transform_5, window_bounds = array<i64: 128, 16>}, {pipeline_mode = #tpu.pipeline_mode<synchronous>, transform_indices = @transform_6, window_bounds = array<i64: 1, 16>}, {transform_indices = @transform_7, window_bounds = array<i64: 1024, 16>}]} {
    %get3A = arith.constant 0 : index
    %get3A_0 = arith.constant 0 : index
    %get3A_1 = arith.constant 0 : index
    %get3A_2 = vector.load %arg1[%get3A, %get3A_0, %get3A_1] : memref<1x1024x128xf32, #tpu.memory_space<vmem>>, vector<1x1024x128xf32>
    %get3A_3 = vector.shape_cast %get3A_2 : vector<1x1024x128xf32> to vector<1024x128xf32>
    %get3A_4 = arith.constant 0 : index
    %get3A_5 = arith.constant 0 : index
    %get3A_6 = arith.constant 0 : index
    %get3A_7 = vector.load %arg2[%get3A_4, %get3A_5, %get3A_6] : memref<1x1024x128xf32, #tpu.memory_space<vmem>>, vector<1x1024x128xf32>
    %get3A_8 = vector.shape_cast %get3A_7 : vector<1x1024x128xf32> to vector<1024x128xf32>
    %add3A = arith.addf %get3A_3, %get3A_8 : vector<1024x128xf32>
    %get3A_9 = arith.constant 0 : index
    %get3A_10 = arith.constant 0 : index
    %get3A_11 = vector.load %arg3[%get3A_9, %get3A_10] : memref<1024x128xf32, #tpu.memory_space<vmem>>, vector<1024x128xf32>
    %add3A_12 = arith.addf %add3A, %get3A_11 : vector<1024x128xf32>
    %get3A_13 = arith.constant 0 : index
    %get3A_14 = arith.constant 0 : index
    %get3A_15 = vector.load %arg4[%get3A_13, %get3A_14] : memref<1024x1xf32, #tpu.memory_space<vmem>>, vector<1024x1xf32>
    %get3A_16 = arith.constant 0 : index
    %get3A_17 = arith.constant 0 : index
    %get3A_18 = vector.load %arg5[%get3A_16, %get3A_17] : memref<1024x1xf32, #tpu.memory_space<vmem>>, vector<1024x1xf32>
    %add3A_19 = arith.addf %get3A_15, %get3A_18 : vector<1024x1xf32>
    %add3A_20 = arith.constant 1.000000e+00 : f32
    %add3A_21 = vector.broadcast %add3A_20 : f32 to vector<1024x1xf32>
    %add3A_22 = arith.addf %add3A_19, %add3A_21 : vector<1024x1xf32>
    %get3A_23 = arith.constant 0 : index
    %get3A_24 = arith.constant 0 : index
    %get3A_25 = vector.load %arg6[%get3A_23, %get3A_24] : memref<128x16xf32, #tpu.memory_space<vmem>>, vector<128x16xf32>
    %dot_general3A = arith.constant dense<0.000000e+00> : vector<1024x16xf32>
    %dot_general3A_26 = tpu.matmul %add3A_12, %get3A_25, %dot_general3A {dimension_numbers = #tpu.dot_dimension_numbers<[1], [0], [0], [1], [0, 0, 1, 1], [], []>, transpose_lhs_hint = false} : vector<1024x128xf32>, vector<128x16xf32>, vector<1024x16xf32> -> vector<1024x16xf32>
    %div3A = vector.broadcast %add3A_22 : vector<1024x1xf32> to vector<1024x16xf32>
    %div3A_27 = arith.divf %dot_general3A_26, %div3A : vector<1024x16xf32>
    %get3A_28 = arith.constant 0 : index
    %get3A_29 = arith.constant 0 : index
    %get3A_30 = vector.load %arg7[%get3A_28, %get3A_29] : memref<1x16xf32, #tpu.memory_space<vmem>>, vector<1x16xf32>
    %add3A_31 = vector.broadcast %get3A_30 : vector<1x16xf32> to vector<1024x16xf32>
    %add3A_32 = arith.addf %div3A_27, %add3A_31 : vector<1024x16xf32>
    %swap3A = arith.constant 0 : index
    %swap3A_33 = arith.constant 0 : index
    %swap3A_34 = vector.load %arg8[%swap3A, %swap3A_33] : memref<1024x16xf32, #tpu.memory_space<vmem>>, vector<1024x16xf32>
    tpu.vector_store %arg8[%swap3A, %swap3A_33], %add3A_32 {strides = array<i32>} : memref<1024x16xf32, #tpu.memory_space<vmem>>, vector<1024x16xf32>,
    return
  }
  func.func @transform_0(%arg0: i32) -> (i32, i32, i32) {
    %c0_i32 = arith.constant 0 : i32
    %c0_i32_0 = arith.constant 0 : i32
    %c0_i32_1 = arith.constant 0 : i32
    return %c0_i32, %arg0, %c0_i32_0 : i32, i32, i32
  }
  func.func @transform_1(%arg0: i32) -> (i32, i32, i32) {
    %c1_i32 = arith.constant 1 : i32
    %c0_i32 = arith.constant 0 : i32
    %c0_i32_0 = arith.constant 0 : i32
    return %c1_i32, %arg0, %c0_i32 : i32, i32, i32
  }
  func.func @transform_2(%arg0: i32) -> (i32, i32) {
    %c0_i32 = arith.constant 0 : i32
    %c0_i32_0 = arith.constant 0 : i32
    return %arg0, %c0_i32 : i32, i32
  }
  func.func @transform_3(%arg0: i32) -> (i32, i32) {
    %c0_i32 = arith.constant 0 : i32
    %c0_i32_0 = arith.constant 0 : i32
    return %arg0, %c0_i32 : i32, i32
  }
  func.func @transform_4(%arg0: i32) -> (i32, i32) {
    %add3A = arith.constant 10 : i32
    %add3A_0 = arith.addi %add3A, %arg0 : i32
    %c0_i32 = arith.constant 0 : i32
    %c0_i32_1 = arith.constant 0 : i32
    return %add3A_0, %c0_i32 : i32, i32
  }
  func.func @transform_5(%arg0: i32) -> (i32, i32) {
    %c0_i32 = arith.constant 0 : i32
    %c0_i32_0 = arith.constant 0 : i32
    %c0_i32_1 = arith.constant 0 : i32
    return %c0_i32, %c0_i32_0 : i32, i32
  }
  func.func @transform_6(%arg0: i32) -> (i32, i32) {
    %c0_i32 = arith.constant 0 : i32
    %c0_i32_0 = arith.constant 0 : i32
    %c0_i32_1 = arith.constant 0 : i32
    return %c0_i32, %c0_i32_0 : i32, i32
  }
  func.func @transform_7(%arg0: i32) -> (i32, i32) {
    %c0_i32 = arith.constant 0 : i32
    %c0_i32_0 = arith.constant 0 : i32
    return %arg0, %c0_i32 : i32, i32
  }
}

</mosaic_0001>

<sc_bundles>
// kernel: kernel.4.cloned.1.call-start
scs
__scs_entry_jumppad:
0x0: {  	(pc) =	sbr.rel $0x88, $3  }
0x1: {  	(tag) =	ssettag $0x0;
	lr =	simm.s32 $0x1  }
0x2: {  	[smem:$0x3F9D] =	sst lr;
	_ =	strace $0xD0000000  }
0x3: {  	_ = 	snop  }
0x4: {  	_ = 	snop  }
0x5: {  	_ = 	snop  }
0x6: {  	_ = 	snop  }
0x7: {  	_ = 	snop  }
__scs_overlays_trampoline_lowered:
0x8: {  	[smem:$0x3FAC] =	sst s0  }
0x9: {  	[smem:$0x3FAD] =	sst s1  }
0xa: {  	[smem:$0x3FAE] =	sst s2  }
0xb: {  	[smem:$0x3FAF] =	sst s3  }
0xc: {  	[smem:$0x3FB0] =	sst s4  }
0xd: {  	[smem:$0x3FB1] =	sst s5  }
0xe: {  	[smem:$0x3FB2] =	sst s6  }
0xf: {  	[smem:$0x3FB3] =	sst s7  }
0x10: {  	[smem:$0x3FB4] =	sst s8  }
0x11: {  	[smem:$0x3FB5] =	sst s9;
	s0 =	simm.s32 @!p0 $0x0  }
0x12: {  	s1 =	sld [smem:$0x3F9B];
	s0 =	simm.s32 @p0 $0x1  }
0x13: {  	[smem:$0x3FB6] =	sst s0;
	s0 =	simm.s32 @!p1 $0x0  }
0x14: {  	s2 =	sld [smem:$0x3F9A];
	s0 =	simm.s32 @p1 $0x1  }
0x15: {  	[smem:$0x3FB7] =	sst s0;
	s0 =	simm.s32 @!p2 $0x0  }
0x16: {  	s3 =	sld [smem:$0x3FDB];
	s0 =	simm.s32 @p2 $0x1  }
0x17: {  	s4 =	simm.s32 $0x1BF5;
	[smem:$0x3FB9] =	sst s0  }
0x18: {  	s0 =	sld [smem:$0x3F9C];
	_ =	swait.ge [sflag:s4], $0x0  }
0x19: {  	s7 =	sld [smem:$0x3F9D]  }
0x1a: {  	s8 =	sadd.s32 $0xFFFFE003, lr  }
0x1b: {  	s9 =	sadd.s32 $0xFFFFFEF7, lr;
	s5 =	simm.s32 $0xFFFFFFFF;
	p2 =	slt.u32 s8, $0xFFFFF086  }
0x1c: {  	p1 =	slt.u32 s9, $0xF7A;
	s5 =	simm.s32 @!p2 $0x0  }
0x1d: {  	s5 =	simm.s32 @p1 $0x1;
	p0 =	seq.s32 s7, s2  }
0x1e: {  	s7 =	smul.u32 @!p0 $0xF7A, s2;
	p2 =	seq.s32 @!p0 s5, $0x0  }
0x1f: {  	s9 =	smul.u32 $0xF7A, s1;
	s8 =	simm.s32 @!p0 $0x1BF5;
	p2 =	por !p2, p0  }
0x20: {  	[sflag:s8] =	ssyncset.s32 @!p0 $0xFFFFF086;
	s6 =	sadd.s32 @!p0 s3, s7;
	s7 =	simm.s32 @!p0 $0x108  }
0x21: {  	s3 =	sadd.s32 s3, s9;
	s6 =	sadd.s32 @!p0 $0x88, s6;
	s7 =	simm.s32 @p2 $0x1082  }
0x22: {  	[simem:s7], [sflag:s8] =	dma.local @!p0 [hbm:s6], $0xF7A  }
0x23: {  	s9 =	sor.u32 $0xD0000000, s2;
	s6 =	simm.s32 $0x108;
	_ =	swait.ge @!p0 [sflag:s8], $0x0  }
0x24: {  	s3 =	sadd.s32 $0x88, s3;
	s6 =	simm.s32 @!p1 $0x1082;
	[sflag:s4] =	ssyncset.s32 $0xFFFFF086  }
0x25: {  	[simem:s6], [sflag:s4] =	dma.local [hbm:s3], $0xF7A  }
0x26: {  	[smem:$0x3F9D] =	sst s1;
	(tag) =	ssettag s2;
	_ =	strace s9  }
0x27: {  	s1 =	sld [smem:$0x3FAD]  }
0x28: {  	s2 =	sld [smem:$0x3FAE]  }
0x29: {  	s4 =	sld [smem:$0x3FB0]  }
0x2a: {  	p0 =	seq.s32 s5, $0x0;
	s5 =	sld [smem:$0x3FB1]  }
0x2b: {  	s6 =	sld [smem:$0x3FB2]  }
0x2c: {  	s7 =	sld [smem:$0x3FB3]  }
0x2d: {  	s3 =	simm.s32 $0x108;
	s8 =	sld [smem:$0x3FB4]  }
0x2e: {  	s3 =	simm.s32 @!p0 $0x1082;
	s9 =	sld [smem:$0x3FB5]  }
0x2f: {  	lr =	sadd.s32 s0, s3;
	s0 =	sld [smem:$0x3FAC]  }
0x30: {  	s3 =	sld [smem:$0x3FAF]  }
0x31: {  	[smem:$0x3FB8] =	sst s10  }
0x32: {  	s10 =	sld [smem:$0x3FB6];
	_ =	sdelay $0x3  }
0x33: {  	p0 =	seq.s32 s10, $0x1;
	s10 =	sld [smem:$0x3FB8];
	_ =	sdelay $0x3  }
0x34: {  	[smem:$0x3FB8] =	sst s10  }
0x35: {  	s10 =	sld [smem:$0x3FB7];
	_ =	sdelay $0x3  }
0x36: {  	p1 =	seq.s32 s10, $0x1;
	s10 =	sld [smem:$0x3FB8];
	_ =	sdelay $0x3  }
0x37: {  	[smem:$0x3FB8] =	sst s10  }
0x38: {  	s10 =	sld [smem:$0x3FB9]  }
0x39: {  	_ = 	snop;
	(pc) =	sbr.ind lr, $3  }
0x3a: {  	_ = 	snop  }
0x3b: {  	_ = 	snop  }
0x3c: {  	p2 =	seq.s32 s10, $0x1;
	s10 =	sld [smem:$0x3FB8]  }
0x3d: {  	_ =	shalt  }
0x3e: {  	_ =	shalt  }
0x3f: {  	_ =	shalt  }
0x40: {  	_ =	shalt  }
0x41: {  	_ =	shalt  }
0x42: {  	_ =	shalt  }
0x43: {  	_ =	shalt  }
0x44: {  	_ =	shalt  }
0x45: {  	_ =	shalt  }
0x46: {  	_ =	shalt  }
0x47: {  	_ =	shalt  }
0x48: {  	_ =	shalt  }
0x49: {  	_ =	shalt  }
0x4a: {  	_ =	shalt  }
0x4b: {  	_ =	shalt  }
0x4c: {  	_ =	shalt  }
0x4d: {  	_ =	shalt  }
0x4e: {  	_ =	shalt  }
0x4f: {  	_ =	shalt  }
0x50: {  	_ =	shalt  }
0x51: {  	_ =	shalt  }
0x52: {  	_ =	shalt  }
0x53: {  	_ =	shalt  }
0x54: {  	_ =	shalt  }
0x55: {  	_ =	shalt  }
0x56: {  	_ =	shalt  }
0x57: {  	_ =	shalt  }
0x58: {  	_ =	shalt  }
0x59: {  	_ =	shalt  }
0x5a: {  	_ =	shalt  }
0x5b: {  	_ =	shalt  }
0x5c: {  	_ =	shalt  }
0x5d: {  	_ =	shalt  }
0x5e: {  	_ =	shalt  }
0x5f: {  	_ =	shalt  }
0x60: {  	_ =	shalt  }
0x61: {  	_ =	shalt  }
0x62: {  	_ =	shalt  }
0x63: {  	_ =	shalt  }
0x64: {  	_ =	shalt  }
0x65: {  	_ =	shalt  }
0x66: {  	_ =	shalt  }
0x67: {  	_ =	shalt  }
0x68: {  	_ =	shalt  }
0x69: {  	_ =	shalt  }
0x6a: {  	_ =	shalt  }
0x6b: {  	_ =	shalt  }
0x6c: {  	_ =	shalt  }
0x6d: {  	_ =	shalt  }
0x6e: {  	_ =	shalt  }
0x6f: {  	_ =	shalt  }
0x70: {  	_ =	shalt  }
0x71: {  	_ =	shalt  }
0x72: {  	_ =	shalt  }
0x73: {  	_ =	shalt  }
0x74: {  	_ =	shalt  }
0x75: {  	_ =	shalt  }
0x76: {  	_ =	shalt  }
0x77: {  	_ =	shalt  }
0x78: {  	_ =	shalt  }
0x79: {  	_ =	shalt  }
0x7a: {  	_ =	shalt  }
0x7b: {  	_ =	shalt  }
0x7c: {  	_ =	shalt  }
0x7d: {  	_ =	shalt  }
0x7e: {  	_ =	shalt  }
0x7f: {  	_ =	shalt  }
0x80: {  	_ =	shalt  }
0x81: {  	_ =	shalt  }
0x82: {  	_ =	shalt  }
0x83: {  	_ =	shalt  }
0x84: {  	_ =	shalt  }
0x85: {  	_ =	shalt  }
0x86: {  	_ =	shalt  }
0x87: {  	_ =	shalt  }
.Lfunc_end0:
.L_simem_size_0:
called_computation_lowered:
.L_overlay_start_0:
0x88: {  	s2 =	sld [smem:$0x3FD9]  }
0x89: {  	s3 =	sld [smem:$0x3FFE];
	_ =	sdelay $0x1  }
0x8a: {  	s1 =	srdreg.scid  }
0x8b: {  	s0 =	sand.u32 $0x1, s1  }
0x8c: {  	s17 =	sshll.u32 s0, $0xA;
	s2 =	sadd.s32 s3, s2  }
0x8d: {  	s2 =	sadd.s32 s2, s17  }
0x8e: {  	[smem:$0x3FC4] =	sst s2  }
0x8f: {  	_ = 	snop  }
0x90: {  	s2 =	sld [smem:$0x3FC9]  }
0x91: {  	s18 =	sld [smem:$0x3FD0];
	(tm) =	ssettm $0x1  }
0x92: {  	s4 =	sld [smem:$0x3FFB];
	_ =	sdelay $0x3  }
0x93: {  	_ =	strace s4  }
0x94: {  	s4 =	sld [smem:$0x3FFC];
	_ =	sdelay $0x3  }
0x95: {  	_ =	strace s4  }
0x96: {  	s4 =	sld [smem:$0x3FFD];
	_ =	sdelay $0x3  }
0x97: {  	_ =	strace s4  }
0x98: {  	_ =	strace $0x8FFFFFFF  }
0x99: {  	s19 =	sld [smem:$0x3FDB];
	_ =	sdelay $0x1  }
0x9a: {  	s5 =	simm.s32 $_scs_section_size  }
0x9b: {  	s6 =	simm.s32 $_size__tile_overlayer_lowered;
	s7 =	simm.s32 $_tile_overlayer_lowered  }
0x9c: {  	s22 =	simm.s32 $0x1BFF;
	s21 =	sshll.u32 s7, $0x1;
	s4 =	sadd.s32 s5, s19  }
0x9d: {  	s8 =	simm.s32 $0x0;
	s20 =	sshll.u32 s6, $0x1;
	s6 =	sadd.s32 s21, s4  }
0x9e: {  	[timem:s8], [sflag:s22] =	dma.local [hbm:s6], s20  }
0x9f: {  	_ =	swait.ge [sflag:s22], s20  }
0xa0: {  	s5 =	ssub.s32 $0x0, s20;
	[sflag:s22] =	ssyncset.done $0x0  }
0xa1: {  	[sflag:s22] =	ssyncadd.s32 s5;
	_ =	sdelay $0x1  }
0xa2: {  	s23 =	simm.s32 $0x1B8B  }
0xa3: {  	_ =	swait.ge [sflag:s23], $0x1  }
0xa4: {  	[sflag:s23] =	ssyncset.done $0x0  }
0xa5: {  	s25 =	simm.s32 $0x1B8E;
	s24 =	sld [smem:$0x3FFE];
	[sflag:s23] =	ssyncadd.s32 $0xFFFFFFFF  }
0xa6: {  	s26 =	simm.s32 $execute0_lowered;
	[smem:$0x3FD2] =	sst s25  }
0xa7: {  	s6 =	sshll.u32 s26, $0x1;
	_ =	strace $0x80000046;
	[dreg:$0x1] =	wrdreg $0xFFFFFFFF  }
0xa8: {  	s28 =	simm.s32 $_size_execute0_lowered;
	s4 =	sadd.s32 s4, s6;
	[dreg:$0x0] =	wrdreg $0x0  }
0xa9: {  	s6 =	sshll.u32 s28, $0x1;
	[dreg:$0x2] =	wrdreg s4  }
0xaa: {  	[dreg:$0x3] =	wrdreg s6  }
0xab: {  	[dreg:$0x4] =	wrdreg $0xC0  }
0xac: {  	_ =	task [dreg:s8], $0x5FFFF  }
0xad: {  	[dreg:$0x1] =	wrdreg $0xFFFFFFFF  }
0xae: {  	[dreg:$0x0] =	wrdreg $0x60  }
0xaf: {  	[dreg:$0x2] =	wrdreg s24  }
0xb0: {  	[dreg:$0x3] =	wrdreg s2  }
0xb1: {  	[dreg:$0x4] =	wrdreg s18  }
0xb2: {  	[dreg:$0x5] =	wrdreg $0xAB000  }
0xb3: {  	[dreg:$0x6] =	wrdreg $0x1EB000  }
0xb4: {  	[dreg:$0x7] =	wrdreg $0x9  }
0xb5: {  	_ =	task.clear_ibuf [dreg:s8], $0x8FFFF;
	_ =	strace $0x90000046  }
0xb6: {  	s29 =	simm.s32 $0x9;
	_ =	strace $0x80000048  }
0xb7: {  	_ =	swait.ge [sflag:s29], $0x1  }
0xb8: {  	[sflag:s29] =	ssyncadd.s32 $0xFFFFFFFF  }
0xb9: {  	_ =	strace $0x90000048  }
0xba: {  	_ =	sfence  }
0xbb: {  	s30 =	sld [smem:$0x0];
	_ =	sdelay $0x2  }
0xbc: {  	s31 =	sshll.u32 s1, $0xD;
	s1 =	sshrl.u32 s1, $0x2  }
0xbd: {  	s3 =	sand.u32 $0x4000, s31;
	s1 =	sadd.s32 s1, s30  }
0xbe: {  	s0 =	sor.u32 s3, s0;
	s1 =	sshll.u32 s1, $0x11  }
0xbf: {  	s0 =	sor.u32 s1, s0  }
0xc0: {  	s0 =	sadd.s32 $0x8F2B, s0  }
0xc1: {  	[sflag:s0] =	ssyncadd.remote.s32 $0x1  }
0xc2: {  	_ =	sfence.sel $0xFFFF  }
0xc3: {  	[dreg:$0x0] =	wrdreg $0xFFFFFFFF;
	(pc) =	sbr.abs _section_cstart, $3  }
0xc4: {  	[dreg:$0x1] =	wrdreg $0xFFFFFFFF  }
0xc5: {  	_ =	task.clear_ibuf [dreg:s8], $0x2FFFF;
	_ =	strace $0x9FFFFFFF  }
0xc6: {  	(tm) =	ssettm $0x7FFFFFFF  }
0xc7: {  	_ =	shalt  }
tec
execute0_lowered:
.L_overlay_start_1:
0x0: {  	(tag) =	ssettag $0x1  }
0x1: {  	s1 =	rddreg [dreg:$0x0]  }
0x2: {  	s0 =	rddreg [dreg:$0x1]  }
0x3: {  	s17 =	rddreg [dreg:$0x2]  }
0x4: {  	s3 =	rddreg [dreg:$0x3]  }
0x5: {  	s2 =	srdreg.scid;
	s22 =	stileid.u32  }
0x6: {  	s4 =	rddreg [dreg:$0x4];
	s5 =	simm.s32 $0x0;
	s7 =	smul.u32 $0x14000, s22  }
0x7: {  	s29 =	simm.s32 $0x1;
	s30 =	simm.s32 $0x2700;
	s23 =	smul.u32 $0x50000, s22  }
0x8: {  	s10 =	sand.u32 $0x1, s2;
	[smem:$0x7FF] =	sst s5;
	s13 =	smul.u32 $0x280, s22  }
0x9: {  	s14 =	sadd.s32 $0x1000, s1;
	s15 =	sadd.s32 $0xB000, s1;
	s6 =	smul.u32 $0x140000, s10  }
0xa: {  	_ =	strace $0x80000047;
	s8 =	ssub.s32 $0x2, s10;
	s24 =	sshll.u32 s10, $0x4  }
0xb: {  	s16 =	smul.u32 $0x2800, s10;
	s9 =	sshrl.u32 s8, $0x1;
	s11 =	sor.u32 s22, s24  }
0xc: {  	s22 =	simm.s32 $0x4;
	s24 =	simm.s32 $0xA800;
	s6 =	sadd.s32 s7, s6  }
0xd: {  	s7 =	sshrl.u32 s23, $0x2;
	s18 =	ssub.s32 s8, s9;
	s12 =	smul.u32 $0x2800, s11  }
0xe: {  	s11 =	sadd.s32 s13, s4;
	s16 =	sadd.s32 s13, s16;
	s23 =	simm.s32 $0x80  }
0xf: {  	s6 =	sshrl.u32 s6, $0x3;
	s31 =	sshrl.u32 s16, $0x3;
	s18 =	smax.u32 s18, $0x1  }
0x10: {  	s1 =	sadd.s32 s6, s1;
	s6 =	sadd.s32 s7, s3;
	s19 =	sshrl.u32 s12, $0x3  }
0x11: {  	s17 =	sadd.s32 s17, s31;
	s25 =	sadd.s32 $0x4000, s6;
	s26 =	sadd.s32 $0x8000, s6  }
0x12: {  	s28 =	sadd.s32 $0xC000, s6;
	s10 =	sadd.s32 $0x10000, s6;
	s12 =	sadd.s32 s14, s19  }
0x13: {  	s20 =	sadd.s32 $0x280, s19;
	s13 =	sadd.s32 s15, s19;
	[dreg:$0x6] =	wrdreg s25  }
0x14: {  	s16 =	sadd.s32 $0x15000, s1;
	s19 =	simm.s32 $0x2800;
	[dreg:$0x7] =	wrdreg s26  }
0x15: {  	[dreg:$0x8] =	wrdreg s28;
	s14 =	sadd.s32 s14, s20;
	s15 =	sadd.s32 s15, s20  }
0x16: {  	v0 =	vimm.f32 $0.0e+00;
	v1 =	vimm.f32 $1.000000000e+00;
	s20 =	simm.s32 $0x3;
	s25 =	simm.s32 $0x2;
	s26 =	simm.s32 $0x2780  }
.LBB2_1:
0x17: {  	s1 =	simm.s32 $0x0;
	s21 =	simm.s32 $0x200  }
.LBB2_2:
0x18: {  	p0 =	sne.s32 s21, $0xFE00;
	[tilespmem:s1+$0x2870] =	vst v0  }
0x19: {  	[tilespmem:s1+$0x2800] =	vst v0  }
0x1a: {  	[tilespmem:s1+$0x2810] =	vst v0  }
.Ltmp0:
0x1b: {  	[tilespmem:s1+$0x2820] =	vst v0;
	(pc) =	sbr.rel @p0 .LBB2_2-.Ltmp0, $4  }
0x1c: {  	[tilespmem:s1+$0x2830] =	vst v0  }
0x1d: {  	[tilespmem:s1+$0x2840] =	vst v0  }
0x1e: {  	[tilespmem:s1+$0x2850] =	vst v0  }
0x1f: {  	[tilespmem:s1+$0x2860] =	vst v0;
	s1 =	sshra.s32 s21, $0x2;
	s21 =	sadd.s32 $0x200, s21  }
0x20: {  	[tilespmem:s1+$0x2870] =	vst v0  }
0x21: {  	[tilespmem:s1+$0x2800] =	vst v0  }
0x22: {  	[tilespmem:s1+$0x2810] =	vst v0  }
0x23: {  	[tilespmem:s1+$0x2820] =	vst v0  }
0x24: {  	[tilespmem:s1+$0x2830] =	vst v0  }
0x25: {  	[tilespmem:s1+$0x2840] =	vst v0  }
0x26: {  	[tilespmem:s1+$0x2850] =	vst v0  }
0x27: {  	[tilespmem:s1+$0x2860] =	vst v0  }
0x28: {  	[tilespmem:$0xA880] =	vst v0  }
0x29: {  	[tilespmem:$0xA890] =	vst v0  }
0x2a: {  	[tilespmem:$0xA8A0] =	vst v0  }
0x2b: {  	[tilespmem:$0xA8B0] =	vst v0  }
0x2c: {  	[tilespmem:$0xA8C0] =	vst v0  }
0x2d: {  	[tilespmem:$0xA8D0] =	vst v0  }
0x2e: {  	[tilespmem:$0xA8E0] =	vst v0  }
0x2f: {  	[tilespmem:$0xA8F0] =	vst v0  }
0x30: {  	[tilespmem:$0xA900] =	vst v0  }
0x31: {  	[tilespmem:$0xA910] =	vst v0  }
0x32: {  	[tilespmem:$0xA920] =	vst v0  }
0x33: {  	[tilespmem:$0xA930] =	vst v0  }
0x34: {  	[tilespmem:$0xA940] =	vst v0  }
0x35: {  	[tilespmem:$0xA950] =	vst v0  }
0x36: {  	[tilespmem:$0xA960] =	vst v0  }
0x37: {  	[tilespmem:$0xA970] =	vst v0  }
0x38: {  	[tilespmem:$0xA980] =	vst v0  }
0x39: {  	[tilespmem:$0xA990] =	vst v0  }
0x3a: {  	[tilespmem:$0xA9A0] =	vst v0  }
0x3b: {  	[tilespmem:$0xA9B0] =	vst v0  }
0x3c: {  	[tilespmem:$0xA9C0] =	vst v0  }
0x3d: {  	[tilespmem:$0xA9D0] =	vst v0  }
0x3e: {  	[tilespmem:$0xA9E0] =	vst v0  }
0x3f: {  	[tilespmem:$0xA9F0] =	vst v0  }
0x40: {  	[tilespmem:$0xAA00] =	vst v0  }
0x41: {  	[tilespmem:$0xAA10] =	vst v0  }
0x42: {  	[tilespmem:$0xAA20] =	vst v0  }
0x43: {  	[tilespmem:$0xAA30] =	vst v0  }
0x44: {  	[tilespmem:$0xAA40] =	vst v0  }
0x45: {  	[tilespmem:$0xAA50] =	vst v0  }
0x46: {  	[tilespmem:$0xAA60] =	vst v0  }
0x47: {  	[tilespmem:$0xAA70] =	vst v0  }
0x48: {  	[tilespmem:$0xAA80] =	vst v0  }
0x49: {  	[tilespmem:$0xAA90] =	vst v0  }
0x4a: {  	[tilespmem:$0xAAA0] =	vst v0  }
0x4b: {  	[tilespmem:$0xAAB0] =	vst v0  }
0x4c: {  	[tilespmem:$0xAAC0] =	vst v0  }
0x4d: {  	[tilespmem:$0xAAD0] =	vst v0  }
0x4e: {  	[tilespmem:$0xAAE0] =	vst v0  }
0x4f: {  	[tilespmem:$0xAAF0] =	vst v0  }
0x50: {  	[tilespmem:$0xA800] =	vst v1  }
0x51: {  	[tilespmem:$0xA810] =	vst v1  }
0x52: {  	[tilespmem:$0xA820] =	vst v1  }
0x53: {  	[tilespmem:$0xA830] =	vst v1  }
0x54: {  	[tilespmem:$0xA840] =	vst v1  }
0x55: {  	[tilespmem:$0xA850] =	vst v1  }
0x56: {  	[tilespmem:$0xA860] =	vst v1  }
0x57: {  	[tilespmem:$0xA870] =	vst v1  }
0x58: {  	[spmem:s6] =	stream.linear.scatter [tilespmem:s19], [sflag:$0x3], $0x4000, $0x38;
	[tilespmem:$0x1ED80] =	vst v63  }
0x59: {  	_ =	swait.ge [sflag:s20], $0x4000  }
0x5a: {  	[sflag:s20] =	ssyncset.done $0x0  }
0x5b: {  	s9 =	rddreg [dreg:$0x6];
	[sflag:s20] =	ssyncadd.s32 $0xFFFFC000  }
0x5c: {  	[spmem:s9] =	stream.linear.scatter [tilespmem:s19], [sflag:$0x3], $0x4000, $0x38;
	[tilespmem:$0x1ED80] =	vst v63  }
0x5d: {  	_ =	swait.ge [sflag:s20], $0x4000  }
0x5e: {  	[sflag:s20] =	ssyncset.done $0x0  }
0x5f: {  	s21 =	rddreg [dreg:$0x7];
	[sflag:s20] =	ssyncadd.s32 $0xFFFFC000  }
0x60: {  	[spmem:s21] =	stream.linear.scatter [tilespmem:s19], [sflag:$0x3], $0x4000, $0x38;
	[tilespmem:$0x1ED80] =	vst v63  }
0x61: {  	_ =	swait.ge [sflag:s20], $0x4000  }
0x62: {  	[sflag:s20] =	ssyncset.done $0x0  }
0x63: {  	s2 =	rddreg [dreg:$0x8];
	[sflag:s20] =	ssyncadd.s32 $0xFFFFC000  }
0x64: {  	[spmem:s2] =	stream.linear.scatter [tilespmem:s19], [sflag:$0x3], $0x4000, $0x38;
	[tilespmem:$0x1ED80] =	vst v63  }
0x65: {  	_ =	swait.ge [sflag:s20], $0x4000  }
0x66: {  	[sflag:s20] =	ssyncset.done $0x0  }
0x67: {  	[sflag:s20] =	ssyncadd.s32 $0xFFFFC000  }
0x68: {  	[spmem:s10] =	stream.linear.scatter [tilespmem:s19], [sflag:$0x3], $0x4000, $0x38;
	[tilespmem:$0x1ED80] =	vst v63  }
0x69: {  	_ =	swait.ge [sflag:s20], $0x4000  }
0x6a: {  	[sflag:s20] =	ssyncset.done $0x0  }
0x6b: {  	s7 =	simm.s32 $0xA880;
	[sflag:s20] =	ssyncadd.s32 $0xFFFFC000  }
0x6c: {  	[spmem:s11] =	stream.linear.scatter [tilespmem:s7], [sflag:$0x3], $0x280, $0x38;
	[tilespmem:$0x1ED80] =	vst v63  }
0x6d: {  	_ =	swait.ge [sflag:s20], $0x280  }
0x6e: {  	[sflag:s20] =	ssyncset.done $0x0  }
0x6f: {  	[sflag:s20] =	ssyncadd.s32 $0xFFFFFD80  }
0x70: {  	s8 =	simm.s32 $0x0;
	[bflag:$0x0] =	sbarrier.arrive $0xFFFF  }
0x71: {  	[tilespmem:s8], [sflag:$0x3] =	stream.linear.gather [hbm4b:s12+s8], $0x1400, $0x38;
	[tilespmem:$0x1ED80] =	vst v63  }
0x72: {  	_ =	swait.ge [sflag:s20], $0x1400  }
0x73: {  	[sflag:s20] =	ssyncset.done $0x0  }
0x74: {  	s21 =	simm.s32 $0x1400;
	[sflag:s20] =	ssyncadd.s32 $0xFFFFEC00  }
0x75: {  	[tilespmem:s21], [sflag:$0x3] =	stream.linear.gather [hbm4b:s13+s8], $0x1400, $0x38;
	[tilespmem:$0x1ED80] =	vst v63  }
0x76: {  	_ =	swait.ge [sflag:s20], $0x1400  }
0x77: {  	s1 =	sand.u32 $0x1, s8;
	[sflag:s20] =	ssyncset.done $0x0  }
0x78: {  	s28 =	simm.s32 $0x80;
	p0 =	seq.s32 s1, $0x1;
	[sflag:s20] =	ssyncadd.s32 $0xFFFFEC00  }
0x79: {  	[tilespmem:s19], [sflag:$0x1] =	stream.indirect.gather [hbm4b:s0+s28], $0x80, s8, s28, $0xb8;
	[tilespmem:$0x1ED80] =	vst v63  }
0x7a: {  	s1 =	simm.s32 @p0 $0x80;
	s31 =	simm.s32 @p0 $0x2800;
	s2 =	simm.s32 @p0 $0x2  }
0x7b: {  	[tilespmem:s31], [sflag:$0x1] =	stream.indirect.gather @p0 [hbm4b:s0+s1], $0x80, s28, s1, $0xb8;
	[tilespmem:$0x1ED80] =	vst v63  }
0x7c: {  	_ =	swait.ge @p0 [sflag:s2], $0x4000  }
0x7d: {  	[sflag:s2] =	ssyncset.done @p0 $0x0  }
0x7e: {  	[sflag:s2] =	ssyncadd.s32 @p0 $0xFFFFC000;
	s2 =	simm.s32 @p0 $0x6800  }
0x7f: {  	[spmem:s3] =	stream.indirect.scatter.add.f32 @p0 [tilespmem:s2], [sflag:$0x4], $0x80, s21, s1, $0xb8;
	[tilespmem:$0x1ED80] =	vst v63  }
0x80: {  	s31 =	simm.s32 @!p0 $0x1;
	s1 =	simm.s32 @!p0 $0x80;
	s2 =	simm.s32 @!p0 $0x6800  }
0x81: {  	[tilespmem:s2], [sflag:$0x2] =	stream.indirect.gather @!p0 [hbm4b:s0+s1], $0x80, s28, s1, $0xb8;
	[tilespmem:$0x1ED80] =	vst v63  }
0x82: {  	_ =	swait.ge @!p0 [sflag:s31], $0x4000  }
0x83: {  	[sflag:s31] =	ssyncset.done @!p0 $0x0  }
0x84: {  	s2 =	simm.s32 @!p0 $0x2800;
	[sflag:s31] =	ssyncadd.s32 @!p0 $0xFFFFC000  }
0x85: {  	[spmem:s3] =	stream.indirect.scatter.add.f32 @!p0 [tilespmem:s2], [sflag:$0x4], $0x80, s21, s1, $0xb8;
	[tilespmem:$0x1ED80] =	vst v63  }
0x86: {  	s9 =	simm.s32 $0x1;
	s28 =	simm.s32 @!p0 $0x4;
	_ =	swait.ge [sflag:s22], $0x4000  }
0x87: {  	s28 =	simm.s32 @p0 $0x3;
	s1 =	sand.u32 $0x1, s9;
	[sflag:s22] =	ssyncset.done $0x0  }
0x88: {  	s31 =	simm.s32 $0x2;
	p0 =	seq.s32 s1, $0x1;
	[sflag:s22] =	ssyncadd.s32 $0xFFFFC000  }
0x89: {  	[spmem:s4] =	stream.indirect.scatter.add.f32 [tilespmem:s24], [sflag:s28], $0x1, s21, s23, $0xb8;
	[tilespmem:$0x1ED80] =	vst v63  }
0x8a: {  	s1 =	simm.s32 $0x1480;
	s21 =	simm.s32 $0x100;
	_ =	swait.ge [sflag:s28], $0x80  }
.LBB2_4:
0x8b: {  	s2 =	simm.s32 @p0 $0x80  }
0x8c: {  	s7 =	simm.s32 @p0 $0x2800;
	[sflag:s28] =	ssyncset.done $0x0;
	s8 =	smov.u32 s31  }
0x8d: {  	s31 =	sadd.s32 $0x1, s31;
	s9 =	simm.s32 @p0 $0x2;
	[sflag:s28] =	ssyncadd.s32 $0xFFFFFF80  }
0x8e: {  	[tilespmem:s7], [sflag:$0x1] =	stream.indirect.gather @p0 [hbm4b:s0+s2], $0x80, s21, s2, $0xb8;
	[tilespmem:$0x1ED80] =	vst v63  }
0x8f: {  	p1 =	sne.s32 s31, $0x27;
	_ =	swait.ge @p0 [sflag:s9], $0x4000  }
0x90: {  	[sflag:s9] =	ssyncset.done @p0 $0x0  }
0x91: {  	s7 =	simm.s32 @p0 $0x6800;
	[sflag:s9] =	ssyncadd.s32 @p0 $0xFFFFC000  }
0x92: {  	[spmem:s3] =	stream.indirect.scatter.add.f32 @p0 [tilespmem:s7], [sflag:$0x4], $0x80, s1, s2, $0xb8;
	[tilespmem:$0x1ED80] =	vst v63  }
0x93: {  	s9 =	simm.s32 @!p0 $0x1;
	s2 =	simm.s32 @!p0 $0x80;
	s7 =	simm.s32 @!p0 $0x6800  }
0x94: {  	[tilespmem:s7], [sflag:$0x2] =	stream.indirect.gather @!p0 [hbm4b:s0+s2], $0x80, s21, s2, $0xb8;
	[tilespmem:$0x1ED80] =	vst v63  }
0x95: {  	_ =	swait.ge @!p0 [sflag:s9], $0x4000  }
0x96: {  	[sflag:s9] =	ssyncset.done @!p0 $0x0  }
0x97: {  	s7 =	simm.s32 @!p0 $0x2800;
	[sflag:s9] =	ssyncadd.s32 @!p0 $0xFFFFC000  }
0x98: {  	[spmem:s3] =	stream.indirect.scatter.add.f32 @!p0 [tilespmem:s7], [sflag:$0x4], $0x80, s1, s2, $0xb8;
	[tilespmem:$0x1ED80] =	vst v63  }
.Ltmp1:
0x99: {  	_ =	swait.ge [sflag:s22], $0x4000;
	(pc) =	sbr.rel @p1 .LBB2_4-.Ltmp1, $4  }
0x9a: {  	s28 =	simm.s32 @!p0 $0x4;
	s21 =	sadd.s32 $0x80, s21;
	[sflag:s22] =	ssyncset.done $0x0  }
0x9b: {  	s28 =	simm.s32 @p0 $0x3;
	s2 =	sand.u32 $0x1, s8;
	[sflag:s22] =	ssyncadd.s32 $0xFFFFC000  }
0x9c: {  	[spmem:s4] =	stream.indirect.scatter.add.f32 [tilespmem:s24], [sflag:s28], $0x1, s1, s23, $0xb8;
	[tilespmem:$0x1ED80] =	vst v63  }
0x9d: {  	p0 =	seq.s32 s2, $0x1;
	s1 =	sadd.s32 $0x80, s1;
	_ =	swait.ge [sflag:s28], $0x80  }
0x9e: {  	s2 =	simm.s32 @p0 $0x80;
	[sflag:s28] =	ssyncset.done $0x0  }
0x9f: {  	s7 =	simm.s32 @p0 $0x2800;
	s8 =	simm.s32 @p0 $0x2;
	[sflag:s28] =	ssyncadd.s32 $0xFFFFFF80  }
0xa0: {  	[tilespmem:s7], [sflag:$0x1] =	stream.indirect.gather @p0 [hbm4b:s0+s2], $0x80, s21, s2, $0xb8;
	[tilespmem:$0x1ED80] =	vst v63  }
0xa1: {  	_ =	swait.ge @p0 [sflag:s8], $0x4000  }
0xa2: {  	[sflag:s8] =	ssyncset.done @p0 $0x0  }
0xa3: {  	s7 =	simm.s32 @p0 $0x6800;
	[sflag:s8] =	ssyncadd.s32 @p0 $0xFFFFC000  }
0xa4: {  	[spmem:s3] =	stream.indirect.scatter.add.f32 @p0 [tilespmem:s7], [sflag:$0x4], $0x80, s1, s2, $0xb8;
	[tilespmem:$0x1ED80] =	vst v63  }
0xa5: {  	s8 =	simm.s32 @!p0 $0x1;
	s2 =	simm.s32 @!p0 $0x80;
	s7 =	simm.s32 @!p0 $0x6800  }
0xa6: {  	[tilespmem:s7], [sflag:$0x2] =	stream.indirect.gather @!p0 [hbm4b:s0+s2], $0x80, s21, s2, $0xb8;
	[tilespmem:$0x1ED80] =	vst v63  }
0xa7: {  	_ =	swait.ge @!p0 [sflag:s8], $0x4000  }
0xa8: {  	[sflag:s8] =	ssyncset.done @!p0 $0x0  }
0xa9: {  	s7 =	simm.s32 @!p0 $0x2800;
	[sflag:s8] =	ssyncadd.s32 @!p0 $0xFFFFC000  }
0xaa: {  	[spmem:s3] =	stream.indirect.scatter.add.f32 @!p0 [tilespmem:s7], [sflag:$0x4], $0x80, s1, s2, $0xb8;
	[tilespmem:$0x1ED80] =	vst v63  }
0xab: {  	_ =	swait.ge [sflag:s22], $0x4000  }
0xac: {  	s2 =	simm.s32 @!p0 $0x4;
	[sflag:s22] =	ssyncset.done $0x0  }
0xad: {  	s2 =	simm.s32 @p0 $0x3;
	[sflag:s22] =	ssyncadd.s32 $0xFFFFC000  }
0xae: {  	[spmem:s4] =	stream.indirect.scatter.add.f32 [tilespmem:s24], [sflag:s2], $0x1, s1, s23, $0xb8;
	[tilespmem:$0x1ED80] =	vst v63  }
0xaf: {  	_ =	swait.ge [sflag:s2], $0x80  }
0xb0: {  	[sflag:s2] =	ssyncset.done $0x0  }
0xb1: {  	[sflag:s2] =	ssyncadd.s32 $0xFFFFFF80  }
0xb2: {  	_ =	swait.ge [sflag:s25], $0x4000  }
0xb3: {  	[sflag:s25] =	ssyncset.done $0x0  }
0xb4: {  	s7 =	simm.s32 $0x6800;
	s1 =	simm.s32 $0x80;
	[sflag:s25] =	ssyncadd.s32 $0xFFFFC000  }
0xb5: {  	[spmem:s3] =	stream.indirect.scatter.add.f32 [tilespmem:s7], [sflag:$0x4], $0x80, s26, s1, $0xb8;
	[tilespmem:$0x1ED80] =	vst v63  }
0xb6: {  	_ =	swait.ge [sflag:s22], $0x4000  }
0xb7: {  	[sflag:s22] =	ssyncset.done $0x0  }
0xb8: {  	[sflag:s22] =	ssyncadd.s32 $0xFFFFC000  }
0xb9: {  	[spmem:s4] =	stream.indirect.scatter.add.f32 [tilespmem:s24], [sflag:$0x3], $0x1, s26, s1, $0xb8;
	[tilespmem:$0x1ED80] =	vst v63  }
0xba: {  	_ =	swait.ge [sflag:s20], $0x80  }
0xbb: {  	[sflag:s20] =	ssyncset.done $0x0  }
0xbc: {  	s8 =	simm.s32 $0x0;
	[sflag:s20] =	ssyncadd.s32 $0xFFFFFF80  }
0xbd: {  	[tilespmem:s8], [sflag:$0x3] =	stream.linear.gather [hbm4b:s14+s8], $0x1380, $0x38;
	[tilespmem:$0x1ED80] =	vst v63  }
0xbe: {  	_ =	swait.ge [sflag:s20], $0x1380  }
0xbf: {  	[sflag:s20] =	ssyncset.done $0x0  }
0xc0: {  	s7 =	simm.s32 $0x1400;
	[sflag:s20] =	ssyncadd.s32 $0xFFFFEC80  }
0xc1: {  	[tilespmem:s7], [sflag:$0x3] =	stream.linear.gather [hbm4b:s15+s8], $0x1380, $0x38;
	[tilespmem:$0x1ED80] =	vst v63  }
0xc2: {  	_ =	swait.ge [sflag:s20], $0x1380  }
0xc3: {  	s2 =	sand.u32 $0x1, s8;
	[sflag:s20] =	ssyncset.done $0x0  }
0xc4: {  	p0 =	seq.s32 s2, $0x1;
	[sflag:s20] =	ssyncadd.s32 $0xFFFFEC80  }
0xc5: {  	[tilespmem:s19], [sflag:$0x1] =	stream.indirect.gather [hbm4b:s0+s1], $0x80, s8, s1, $0xb8;
	[tilespmem:$0x1ED80] =	vst v63  }
0xc6: {  	s2 =	simm.s32 @p0 $0x80;
	s9 =	simm.s32 @p0 $0x2;
	s8 =	simm.s32 @p0 $0x2800  }
0xc7: {  	[tilespmem:s8], [sflag:$0x1] =	stream.indirect.gather @p0 [hbm4b:s0+s2], $0x80, s1, s2, $0xb8;
	[tilespmem:$0x1ED80] =	vst v63  }
0xc8: {  	_ =	swait.ge @p0 [sflag:s9], $0x4000  }
0xc9: {  	[sflag:s9] =	ssyncset.done @p0 $0x0  }
0xca: {  	s8 =	simm.s32 @p0 $0x6800;
	[sflag:s9] =	ssyncadd.s32 @p0 $0xFFFFC000;
	s9 =	simm.s32 @p0 $0x4  }
0xcb: {  	[spmem:s3] =	stream.indirect.scatter.add.f32 @p0 [tilespmem:s8], [sflag:$0x4], $0x80, s7, s2, $0xb8;
	[tilespmem:$0x1ED80] =	vst v63  }
0xcc: {  	_ =	swait.ge @p0 [sflag:s9], $0x4000  }
0xcd: {  	[sflag:s9] =	ssyncset.done @p0 $0x0  }
0xce: {  	s8 =	simm.s32 @p0 $0xA800;
	[sflag:s9] =	ssyncadd.s32 @p0 $0xFFFFC000  }
0xcf: {  	[spmem:s4] =	stream.indirect.scatter.add.f32 @p0 [tilespmem:s8], [sflag:$0x3], $0x1, s7, s2, $0xb8;
	[tilespmem:$0x1ED80] =	vst v63  }
0xd0: {  	s9 =	simm.s32 @!p0 $0x1;
	s2 =	simm.s32 @!p0 $0x80;
	s8 =	simm.s32 @!p0 $0x6800  }
0xd1: {  	[tilespmem:s8], [sflag:$0x2] =	stream.indirect.gather @!p0 [hbm4b:s0+s2], $0x80, s1, s2, $0xb8;
	[tilespmem:$0x1ED80] =	vst v63  }
0xd2: {  	_ =	swait.ge @!p0 [sflag:s9], $0x4000  }
0xd3: {  	[sflag:s9] =	ssyncset.done @!p0 $0x0  }
0xd4: {  	s28 =	simm.s32 @!p0 $0x4;
	s1 =	simm.s32 @!p0 $0x2800;
	[sflag:s9] =	ssyncadd.s32 @!p0 $0xFFFFC000  }
0xd5: {  	[spmem:s3] =	stream.indirect.scatter.add.f32 @!p0 [tilespmem:s1], [sflag:$0x4], $0x80, s7, s2, $0xb8;
	[tilespmem:$0x1ED80] =	vst v63  }
0xd6: {  	s31 =	simm.s32 $0x1480;
	s21 =	simm.s32 $0x2;
	_ =	swait.ge @!p0 [sflag:s28], $0x4000  }
0xd7: {  	s8 =	simm.s32 @!p0 $0xA800;
	s9 =	simm.s32 $0x1;
	[sflag:s28] =	ssyncset.done @!p0 $0x0  }
0xd8: {  	s9 =	sand.u32 $0x1, s9;
	[sflag:s28] =	ssyncadd.s32 @!p0 $0xFFFFC000;
	s28 =	simm.s32 @p0 $0x3  }
0xd9: {  	[spmem:s4] =	stream.indirect.scatter.add.f32 @!p0 [tilespmem:s8], [sflag:$0x4], $0x1, s7, s2, $0xb8;
	[tilespmem:$0x1ED80] =	vst v63  }
0xda: {  	s1 =	simm.s32 $0x100;
	p0 =	seq.s32 s9, $0x1;
	_ =	swait.ge [sflag:s28], $0x80  }
.LBB2_6:
0xdb: {  	s2 =	simm.s32 @p0 $0x80  }
0xdc: {  	s7 =	simm.s32 @p0 $0x2800;
	[sflag:s28] =	ssyncset.done $0x0;
	s8 =	smov.u32 s21  }
0xdd: {  	s21 =	sadd.s32 $0x1, s21;
	s9 =	simm.s32 @p0 $0x2;
	[sflag:s28] =	ssyncadd.s32 $0xFFFFFF80  }
0xde: {  	[tilespmem:s7], [sflag:$0x1] =	stream.indirect.gather @p0 [hbm4b:s0+s2], $0x80, s1, s2, $0xb8;
	[tilespmem:$0x1ED80] =	vst v63  }
0xdf: {  	p1 =	sne.s32 s21, $0x26;
	_ =	swait.ge @p0 [sflag:s9], $0x4000  }
0xe0: {  	[sflag:s9] =	ssyncset.done @p0 $0x0  }
0xe1: {  	s7 =	simm.s32 @p0 $0x6800;
	[sflag:s9] =	ssyncadd.s32 @p0 $0xFFFFC000;
	s9 =	simm.s32 @p0 $0x4  }
0xe2: {  	[spmem:s3] =	stream.indirect.scatter.add.f32 @p0 [tilespmem:s7], [sflag:$0x4], $0x80, s31, s2, $0xb8;
	[tilespmem:$0x1ED80] =	vst v63  }
0xe3: {  	_ =	swait.ge @p0 [sflag:s9], $0x4000  }
0xe4: {  	[sflag:s9] =	ssyncset.done @p0 $0x0  }
0xe5: {  	s7 =	simm.s32 @p0 $0xA800;
	[sflag:s9] =	ssyncadd.s32 @p0 $0xFFFFC000  }
0xe6: {  	[spmem:s4] =	stream.indirect.scatter.add.f32 @p0 [tilespmem:s7], [sflag:$0x3], $0x1, s31, s2, $0xb8;
	[tilespmem:$0x1ED80] =	vst v63  }
0xe7: {  	s9 =	simm.s32 @!p0 $0x1;
	s2 =	simm.s32 @!p0 $0x80;
	s7 =	simm.s32 @!p0 $0x6800  }
0xe8: {  	[tilespmem:s7], [sflag:$0x2] =	stream.indirect.gather @!p0 [hbm4b:s0+s2], $0x80, s1, s2, $0xb8;
	[tilespmem:$0x1ED80] =	vst v63  }
0xe9: {  	_ =	swait.ge @!p0 [sflag:s9], $0x4000  }
0xea: {  	[sflag:s9] =	ssyncset.done @!p0 $0x0  }
0xeb: {  	s28 =	simm.s32 @!p0 $0x4;
	s7 =	simm.s32 @!p0 $0x2800;
	[sflag:s9] =	ssyncadd.s32 @!p0 $0xFFFFC000  }
0xec: {  	[spmem:s3] =	stream.indirect.scatter.add.f32 @!p0 [tilespmem:s7], [sflag:$0x4], $0x80, s31, s2, $0xb8;
	[tilespmem:$0x1ED80] =	vst v63  }
.Ltmp2:
0xed: {  	_ =	swait.ge @!p0 [sflag:s28], $0x4000;
	(pc) =	sbr.rel @p1 .LBB2_6-.Ltmp2, $4  }
0xee: {  	s1 =	sadd.s32 $0x80, s1;
	s7 =	sand.u32 $0x1, s8;
	[sflag:s28] =	ssyncset.done @!p0 $0x0  }
0xef: {  	s8 =	simm.s32 @!p0 $0xA800;
	[sflag:s28] =	ssyncadd.s32 @!p0 $0xFFFFC000;
	s28 =	simm.s32 @p0 $0x3  }
0xf0: {  	[spmem:s4] =	stream.indirect.scatter.add.f32 @!p0 [tilespmem:s8], [sflag:$0x4], $0x1, s31, s2, $0xb8;
	[tilespmem:$0x1ED80] =	vst v63  }
0xf1: {  	p0 =	seq.s32 s7, $0x1;
	s31 =	sadd.s32 $0x80, s31;
	_ =	swait.ge [sflag:s28], $0x80  }
0xf2: {  	s2 =	simm.s32 @p0 $0x80;
	[sflag:s28] =	ssyncset.done $0x0  }
0xf3: {  	s7 =	simm.s32 @p0 $0x2800;
	s8 =	simm.s32 @p0 $0x2;
	[sflag:s28] =	ssyncadd.s32 $0xFFFFFF80  }
0xf4: {  	[tilespmem:s7], [sflag:$0x1] =	stream.indirect.gather @p0 [hbm4b:s0+s2], $0x80, s1, s2, $0xb8;
	[tilespmem:$0x1ED80] =	vst v63  }
0xf5: {  	_ =	swait.ge @p0 [sflag:s8], $0x4000  }
0xf6: {  	[sflag:s8] =	ssyncset.done @p0 $0x0  }
0xf7: {  	s7 =	simm.s32 @p0 $0x6800;
	[sflag:s8] =	ssyncadd.s32 @p0 $0xFFFFC000;
	s8 =	simm.s32 @p0 $0x4  }
0xf8: {  	[spmem:s3] =	stream.indirect.scatter.add.f32 @p0 [tilespmem:s7], [sflag:$0x4], $0x80, s31, s2, $0xb8;
	[tilespmem:$0x1ED80] =	vst v63  }
0xf9: {  	_ =	swait.ge @p0 [sflag:s8], $0x4000  }
0xfa: {  	[sflag:s8] =	ssyncset.done @p0 $0x0  }
0xfb: {  	s7 =	simm.s32 @p0 $0xA800;
	[sflag:s8] =	ssyncadd.s32 @p0 $0xFFFFC000  }
0xfc: {  	[spmem:s4] =	stream.indirect.scatter.add.f32 @p0 [tilespmem:s7], [sflag:$0x3], $0x1, s31, s2, $0xb8;
	[tilespmem:$0x1ED80] =	vst v63  }
0xfd: {  	s8 =	simm.s32 @!p0 $0x1;
	s2 =	simm.s32 @!p0 $0x80;
	s7 =	simm.s32 @!p0 $0x6800  }
0xfe: {  	[tilespmem:s7], [sflag:$0x2] =	stream.indirect.gather @!p0 [hbm4b:s0+s2], $0x80, s1, s2, $0xb8;
	[tilespmem:$0x1ED80] =	vst v63  }
0xff: {  	_ =	swait.ge @!p0 [sflag:s8], $0x4000  }
0x100: {  	[sflag:s8] =	ssyncset.done @!p0 $0x0  }
0x101: {  	s1 =	simm.s32 @!p0 $0x2800;
	s7 =	simm.s32 @!p0 $0x4;
	[sflag:s8] =	ssyncadd.s32 @!p0 $0xFFFFC000  }
0x102: {  	[spmem:s3] =	stream.indirect.scatter.add.f32 @!p0 [tilespmem:s1], [sflag:$0x4], $0x80, s31, s2, $0xb8;
	[tilespmem:$0x1ED80] =	vst v63  }
0x103: {  	_ =	swait.ge @!p0 [sflag:s7], $0x4000  }
0x104: {  	[sflag:s7] =	ssyncset.done @!p0 $0x0  }
0x105: {  	s1 =	simm.s32 @!p0 $0xA800;
	[sflag:s7] =	ssyncadd.s32 @!p0 $0xFFFFC000;
	s7 =	simm.s32 @p0 $0x3  }
0x106: {  	[spmem:s4] =	stream.indirect.scatter.add.f32 @!p0 [tilespmem:s1], [sflag:$0x4], $0x1, s31, s2, $0xb8;
	[tilespmem:$0x1ED80] =	vst v63  }
0x107: {  	_ =	swait.ge [sflag:s7], $0x80  }
0x108: {  	[sflag:s7] =	ssyncset.done $0x0  }
0x109: {  	[sflag:s7] =	ssyncadd.s32 $0xFFFFFF80  }
0x10a: {  	_ =	swait.ge [sflag:s29], $0x4000  }
0x10b: {  	[sflag:s29] =	ssyncset.done $0x0  }
0x10c: {  	[sflag:s29] =	ssyncadd.s32 $0xFFFFC000  }
0x10d: {  	[spmem:s3] =	stream.indirect.scatter.add.f32 [tilespmem:s19], [sflag:$0x4], $0x80, s30, s23, $0xb8;
	[tilespmem:$0x1ED80] =	vst v63  }
0x10e: {  	_ =	swait.ge [sflag:s22], $0x4000  }
0x10f: {  	[sflag:s22] =	ssyncset.done $0x0  }
0x110: {  	[sflag:s22] =	ssyncadd.s32 $0xFFFFC000  }
0x111: {  	[spmem:s4] =	stream.indirect.scatter.add.f32 [tilespmem:s24], [sflag:$0x4], $0x1, s30, s23, $0xb8;
	[tilespmem:$0x1ED80] =	vst v63  }
0x112: {  	_ =	swait.ge [sflag:s22], $0x80  }
0x113: {  	s21 =	stileid.u32;
	[sflag:s22] =	ssyncset.done $0x0  }
0x114: {  	s1 =	sshll.u32 s21, $0x6;
	[sflag:s22] =	ssyncadd.s32 $0xFFFFFF80  }
0x115: {  	s28 =	sshrl.u32 s6, $0x3;
	s1 =	sor.u32 $0x1C03, s1;
	[bflag:$0x0] =	sbarrier.arrive $0xFFFF  }
0x116: {  	[hbm:s16], [sflag:s1] =	dma.local [spmem:s28], $0x2800  }
0x117: {  	s5 =	sadd.s32 $0x1, s5;
	_ =	swait.ge [sflag:s20], $0x2800  }
0x118: {  	p0 =	sne.s32 s5, s18;
	[sflag:s20] =	ssyncset.done $0x0  }
.Ltmp3:
0x119: {  	s31 =	sshrl.u32 s11, $0x3;
	[sflag:s20] =	ssyncadd.s32 $0xFFFFD800;
	(pc) =	sbr.rel @p0 .LBB2_1-.Ltmp3, $4  }
0x11a: {  	[hbm:s17], [sflag:s1] =	dma.local [spmem:s31], $0x50  }
0x11b: {  	_ =	swait.ge [sflag:s20], $0x50  }
0x11c: {  	[sflag:s20] =	ssyncset.done $0x0  }
0x11d: {  	[sflag:s20] =	ssyncadd.s32 $0xFFFFFFB0  }
0x11e: {  	_ =	sfence.sel $0x180000  }
0x11f: {  	[bflag:$0x0] =	sbarrier.arrive $0xFFFF  }
0x120: {  	_ =	strace $0x90000047  }
0x121: {  	s0 =	stileid.u32;
	[bflag:$0x2] =	sbarrier.arrive $0xFFFF  }
0x122: {  	p0 =	sne.s32 s0, $0x0;
	s0 =	rddreg [dreg:$0x5]  }
0x123: {  	s0 =	sadd.s32 @!p0 $0x100000, s0  }
0x124: {  	[sflag:s0] =	ssyncadd.tile.s32 @!p0 $0x1;
	_ =	shalt  }
.Lfunc_end2:
_tile_overlayer_lowered:
.L_overlay_start_2:
0x125: {  	(tag) =	ssettag $0x2  }
0x126: {  	s0 =	rddreg [dreg:$0x0];
	s2 =	stileid.u32  }
0x127: {  	s1 =	rddreg [dreg:$0x1];
	p0 =	sne.s32 s2, $0x0  }
0x128: {  	s3 =	rddreg [dreg:$0x2];
	[bflag:$0x3] =	sbarrier.arrive $0xFFFF;
	s2 =	simm.s32 @!p0 $0x1C03  }
0x129: {  	[timem:s3], [sflag:s2] =	dma.local @!p0 [hbm:s0], s1  }
0x12a: {  	s0 =	simm.s32 @!p0 $0x3  }
0x12b: {  	_ =	swait.ge @!p0 [sflag:s0], s1  }
0x12c: {  	s1 =	ssub.s32 @!p0 $0x0, s1;
	[sflag:s0] =	ssyncset.done @!p0 $0x0  }
0x12d: {  	[sflag:s0] =	ssyncadd.s32 @!p0 s1  }
0x12e: {  	[bflag:$0x3] =	sbarrier.arrive $0xFFFF  }
0x12f: {  	_ =	shalt  }

</sc_bundles>
